<compile_context>
chip_gen: v7x
topology: tpu7x:2x2x1
jax: 0.10.2.dev20260603
libtpu: 0.0.44.dev20260713+nightly
codegen_flags: <defaults>
</compile_context>

<pallas_src>
import functools

import jax
import jax.numpy as jnp
from jax import lax
from jax.experimental import pallas as pl
from jax.experimental.pallas import tpu as pltpu
from jax.experimental.pallas import tpu_sc as plsc

N_NODES = 10000
N_EDGES = 320000
D = 128

NC = 2
NS = 16
NW = NC * NS
E_PER_W = N_EDGES // NW
CHUNK = 80
NCHUNK = E_PER_W // CHUNK
ROWS_PER_S = N_NODES // NS
DEG_W = 16


def _sc_body(x_hbm, src_hbm, dst_hbm, acc_out, deg_out,
             acc_sh, deg_sh, src_all, dst_all, rows_v, ones_v,
             zbuf, sem):
    cid = lax.axis_index("c")
    sid = lax.axis_index("s")

    zero16 = jnp.zeros((16,), jnp.float32)
    one16 = jnp.ones((16,), jnp.float32)

    def _fill(r, _):
        for cc in range(D // 16):
            rows_v[r, pl.ds(cc * 16, 16)] = zero16
        ones_v[r, :] = one16
        zbuf[r, :] = zero16
        return _
    lax.fori_loop(0, CHUNK, _fill, 0)

    row0 = sid * ROWS_PER_S
    for k in range(ROWS_PER_S // CHUNK):
        pltpu.sync_copy(rows_v, acc_sh.at[pl.ds(row0 + k * CHUNK, CHUNK)])
        pltpu.sync_copy(zbuf, deg_sh.at[pl.ds(row0 + k * CHUNK, CHUNK)])
    rem = ROWS_PER_S % CHUNK
    base = row0 + (ROWS_PER_S // CHUNK) * CHUNK
    pltpu.sync_copy(rows_v.at[pl.ds(0, rem)], acc_sh.at[pl.ds(base, rem)])
    pltpu.sync_copy(zbuf.at[pl.ds(0, rem)], deg_sh.at[pl.ds(base, rem)])

    chunk0 = (cid * NS + sid) * NCHUNK
    pltpu.sync_copy(src_hbm.at[pl.ds(chunk0, NCHUNK)], src_all)
    pltpu.sync_copy(dst_hbm.at[pl.ds(chunk0, NCHUNK)], dst_all)

    plsc.subcore_barrier()

    def _edge_chunk(j, _):
        pltpu.async_copy(x_hbm.at[src_all.at[j]], rows_v, sem).wait()
        pltpu.sync_copy(rows_v, acc_sh.at[dst_all.at[j]], add=True)
        pltpu.sync_copy(ones_v, deg_sh.at[dst_all.at[j]], add=True)
        return _
    lax.fori_loop(0, NCHUNK, _edge_chunk, 0)

    plsc.subcore_barrier()

    pltpu.sync_copy(acc_sh.at[pl.ds(row0, ROWS_PER_S)],
                    acc_out.at[cid, pl.ds(row0, ROWS_PER_S)])
    pltpu.sync_copy(deg_sh.at[pl.ds(row0, ROWS_PER_S)],
                    deg_out.at[cid, pl.ds(row0, ROWS_PER_S)])


@functools.partial(
    pl.kernel,
    out_type=[
        jax.ShapeDtypeStruct((NC, N_NODES, D), jnp.float32),
        jax.ShapeDtypeStruct((NC, N_NODES, DEG_W), jnp.float32),
    ],
    mesh=plsc.VectorSubcoreMesh(core_axis_name="c", subcore_axis_name="s"),
    scratch_types=[
        pltpu.VMEM_SHARED((N_NODES, D), jnp.float32),
        pltpu.VMEM_SHARED((N_NODES, DEG_W), jnp.float32),
        pltpu.VMEM((NCHUNK, CHUNK), jnp.int32),
        pltpu.VMEM((NCHUNK, CHUNK), jnp.int32),
        pltpu.VMEM((CHUNK, D), jnp.float32),
        pltpu.VMEM((CHUNK, DEG_W), jnp.float32),
        pltpu.VMEM((CHUNK, DEG_W), jnp.float32),
        pltpu.SemaphoreType.DMA,
    ],
    compiler_params=pltpu.CompilerParams(use_tc_tiling_on_sc=False),
)
def _sc_aggregate(x_hbm, src_hbm, dst_hbm, acc_out, deg_out, *scratch):
    _sc_body(x_hbm, src_hbm, dst_hbm, acc_out, deg_out, *scratch)


def _tc_decode_body(x_ref, p0_ref, p1_ref, d0_ref, d1_ref, ws_ref, wn_ref,
                    be_ref, wd_ref, bd_ref, rec_ref, h_ref):
    summed = p0_ref[...] + p1_ref[...]
    deg = jnp.maximum(d0_ref[...] + d1_ref[...], 1.0)
    h_neigh = summed / deg
    h_enc = (jnp.dot(x_ref[...], ws_ref[...], preferred_element_type=jnp.float32)
             + jnp.dot(h_neigh, wn_ref[...], preferred_element_type=jnp.float32)
             + be_ref[...])
    h = jnp.maximum(h_enc, 0.0)
    h_ref[...] = h
    rec_ref[...] = (jnp.dot(h, wd_ref[...], preferred_element_type=jnp.float32)
                    + bd_ref[...])


def _tc_decode(x, p0, p1, d0, d1, W_self, W_neigh, b_enc, W_dec, b_dec):
    R = 1000
    grid = (N_NODES // R,)
    row_spec = pl.BlockSpec((R, D), lambda i: (i, 0))
    deg_spec = pl.BlockSpec((R, 1), lambda i: (i, 0))
    w_spec = pl.BlockSpec((D, D), lambda i: (0, 0))
    b_spec = pl.BlockSpec((1, D), lambda i: (0, 0))
    return pl.pallas_call(
        _tc_decode_body,
        grid=grid,
        in_specs=[row_spec, row_spec, row_spec, deg_spec, deg_spec,
                  w_spec, w_spec, b_spec, w_spec, b_spec],
        out_specs=[row_spec, row_spec],
        out_shape=[
            jax.ShapeDtypeStruct((N_NODES, D), jnp.float32),
            jax.ShapeDtypeStruct((N_NODES, D), jnp.float32),
        ],
    )(x, p0, p1, d0, d1, W_self, W_neigh, b_enc, W_dec, b_dec)


@jax.jit
def kernel(x, edge_index, W_self, W_neigh, b_enc, W_dec, b_dec):
    src = edge_index[0].astype(jnp.int32).reshape(NW * NCHUNK, CHUNK)
    dst = edge_index[1].astype(jnp.int32).reshape(NW * NCHUNK, CHUNK)
    acc, deg = _sc_aggregate(x, src, dst)
    rec, h = _tc_decode(
        x, acc[0], acc[1], deg[0, :, 0:1], deg[1, :, 0:1],
        W_self, W_neigh, b_enc.reshape(1, D), W_dec, b_dec.reshape(1, D))
    return rec, h

# --- scband reference (transcript-rebuilt; emitter-appended) ---
"""Pipeline reference for scband-graph-autoencoder-49563922596249 (READ-ONLY COPY).

The authoritative reference and input builder live on the scoring server;
editing this copy changes nothing except your own understanding.
"""

import jax, jax.numpy as jnp
import numpy as np

N_NODES = 10000
N_EDGES = 320000
IN_DIM = 128
HIDDEN_DIM = 128
OUT_DIM = 128


def setup_inputs(seed: int = 0) -> dict:
    key = jax.random.key(seed)
    ks = jax.random.split(key, 8)
    x = jax.random.normal(ks[0], (N_NODES, IN_DIM), dtype=jnp.float32)
    edge_index = jax.random.randint(ks[1], (2, N_EDGES), 0, N_NODES)
    # DGL SAGEConv('mean') params: fc_self (no bias), fc_neigh (no bias), shared bias
    W_self = jax.random.normal(ks[2], (IN_DIM, HIDDEN_DIM), dtype=jnp.float32) / np.sqrt(IN_DIM)
    W_neigh = jax.random.normal(ks[3], (IN_DIM, HIDDEN_DIM), dtype=jnp.float32) / np.sqrt(IN_DIM)
    b_enc = jnp.zeros((HIDDEN_DIM,), dtype=jnp.float32)
    # decoder Linear(hidden_dim, out_dim)
    W_dec = jax.random.normal(ks[4], (HIDDEN_DIM, OUT_DIM), dtype=jnp.float32) / np.sqrt(HIDDEN_DIM)
    b_dec = jnp.zeros((OUT_DIM,), dtype=jnp.float32)
    return {"x": x, "edge_index": edge_index, "W_self": W_self, "W_neigh": W_neigh,
            "b_enc": b_enc, "W_dec": W_dec, "b_dec": b_dec}


def reference(x, edge_index, W_self, W_neigh, b_enc, W_dec, b_dec):
    src = edge_index[0]
    dst = edge_index[1]
    # SAGEConv 'mean' aggregation: mean of source-node features over incoming edges
    msgs = jnp.take(x, src, axis=0)  # gather [E, in_dim]
    summed = jax.ops.segment_sum(msgs, dst, num_segments=N_NODES)  # scatter-add
    deg = jax.ops.segment_sum(jnp.ones((N_EDGES, 1), dtype=x.dtype), dst, num_segments=N_NODES)
    h_neigh = summed / jnp.maximum(deg, 1.0)
    # rst = fc_self(h_self) + fc_neigh(h_neigh) + bias
    h_enc = x @ W_self + h_neigh @ W_neigh + b_enc
    h = jax.nn.relu(h_enc)
    reconstructed = h @ W_dec + b_dec
    return (reconstructed, h)

if __name__ == "__main__":
    import jax
    _d = setup_inputs()
    print(jax.jit(kernel)(*tuple(_d.values())))

</pallas_src>

<mosaic_0001>
#map = affine_map<(d0, d1) -> (0, 0)>
#map1 = affine_map<(d0, d1) -> (0, 0, 0)>
module attributes {stable_mosaic.version = 14 : i64} {
  func.func @_sc_aggregate(%arg0: i32, %arg1: i32, %arg2: memref<10000x128xf32, #tpu.memory_space<hbm>>, %arg3: memref<4000x80xi32, #tpu.memory_space<hbm>>, %arg4: memref<4000x80xi32, #tpu.memory_space<hbm>>, %arg5: memref<2x10000x128xf32, #tpu.memory_space<hbm>>, %arg6: memref<2x10000x16xf32, #tpu.memory_space<hbm>>, %arg7: memref<10000x128xf32, #tpu.memory_space<vmem_shared>>, %arg8: memref<10000x16xf32, #tpu.memory_space<vmem_shared>>, %arg9: memref<125x80xi32, #tpu.memory_space<vmem>>, %arg10: memref<125x80xi32, #tpu.memory_space<vmem>>, %arg11: memref<80x128xf32, #tpu.memory_space<vmem>>, %arg12: memref<80x16xf32, #tpu.memory_space<vmem>>, %arg13: memref<80x16xf32, #tpu.memory_space<vmem>>, %arg14: memref<!tpu.dma_semaphore, #tpu.memory_space<semaphore_mem>>) attributes {dimension_semantics = [#tpu.dimension_semantics<core_parallel>, #tpu.dimension_semantics<subcore_parallel>], iteration_bounds = array<i64: 2, 16>, scalar_prefetch = 0 : i64, scratch_operands = 8 : i64, tpu.core_type = #tpu.core_type<sc_vector_subcore>, window_params = [{transform_indices = #map}, {transform_indices = #map}, {transform_indices = #map}, {transform_indices = #map1}, {transform_indices = #map1}]} {
    %broadcast_in_dim3A = arith.constant 0.000000e+00 : f32
    %broadcast_in_dim3A_0 = vector.broadcast %broadcast_in_dim3A : f32 to vector<16xf32>
    %broadcast_in_dim3A_1 = arith.constant 1.000000e+00 : f32
    %broadcast_in_dim3A_2 = vector.broadcast %broadcast_in_dim3A_1 : f32 to vector<16xf32>
    %scan3A = arith.constant 0 : i32
    %scan3A_3 = arith.constant 0 : i32
    %scan3A_4 = arith.constant 80 : i32
    %scan3A_5 = arith.addi %scan3A_3, %scan3A_4 : i32
    %scan3A_6 = arith.constant 1 : i32
    scf.for %scan3A_50 = %scan3A_3 to %scan3A_5 step %scan3A_6  : i32 {
      %swap3A = arith.index_cast %scan3A_50 : i32 to index
      %swap3A_51 = arith.constant 0 : index
      %swap3A_52 = tpu.vector_load %arg11[%swap3A, %swap3A_51] {strides = array<i32>} : memref<80x128xf32, #tpu.memory_space<vmem>>, vector<1x16xf32>,
      %swap3A_53 = vector.shape_cast %swap3A_52 : vector<1x16xf32> to vector<16xf32>
      %swap3A_54 = vector.shape_cast %broadcast_in_dim3A_0 : vector<16xf32> to vector<1x16xf32>
      tpu.vector_store %arg11[%swap3A, %swap3A_51], %swap3A_54 {strides = array<i32>} : memref<80x128xf32, #tpu.memory_space<vmem>>, vector<1x16xf32>,
      %swap3A_55 = arith.index_cast %scan3A_50 : i32 to index
      %swap3A_56 = arith.constant 16 : index
      %swap3A_57 = tpu.vector_load %arg11[%swap3A_55, %swap3A_56] {strides = array<i32>} : memref<80x128xf32, #tpu.memory_space<vmem>>, vector<1x16xf32>,
      %swap3A_58 = vector.shape_cast %swap3A_57 : vector<1x16xf32> to vector<16xf32>
      %swap3A_59 = vector.shape_cast %broadcast_in_dim3A_0 : vector<16xf32> to vector<1x16xf32>
      tpu.vector_store %arg11[%swap3A_55, %swap3A_56], %swap3A_59 {strides = array<i32>} : memref<80x128xf32, #tpu.memory_space<vmem>>, vector<1x16xf32>,
      %swap3A_60 = arith.index_cast %scan3A_50 : i32 to index
      %swap3A_61 = arith.constant 32 : index
      %swap3A_62 = tpu.vector_load %arg11[%swap3A_60, %swap3A_61] {strides = array<i32>} : memref<80x128xf32, #tpu.memory_space<vmem>>, vector<1x16xf32>,
      %swap3A_63 = vector.shape_cast %swap3A_62 : vector<1x16xf32> to vector<16xf32>
      %swap3A_64 = vector.shape_cast %broadcast_in_dim3A_0 : vector<16xf32> to vector<1x16xf32>
      tpu.vector_store %arg11[%swap3A_60, %swap3A_61], %swap3A_64 {strides = array<i32>} : memref<80x128xf32, #tpu.memory_space<vmem>>, vector<1x16xf32>,
      %swap3A_65 = arith.index_cast %scan3A_50 : i32 to index
      %swap3A_66 = arith.constant 48 : index
      %swap3A_67 = tpu.vector_load %arg11[%swap3A_65, %swap3A_66] {strides = array<i32>} : memref<80x128xf32, #tpu.memory_space<vmem>>, vector<1x16xf32>,
      %swap3A_68 = vector.shape_cast %swap3A_67 : vector<1x16xf32> to vector<16xf32>
      %swap3A_69 = vector.shape_cast %broadcast_in_dim3A_0 : vector<16xf32> to vector<1x16xf32>
      tpu.vector_store %arg11[%swap3A_65, %swap3A_66], %swap3A_69 {strides = array<i32>} : memref<80x128xf32, #tpu.memory_space<vmem>>, vector<1x16xf32>,
      %swap3A_70 = arith.index_cast %scan3A_50 : i32 to index
      %swap3A_71 = arith.constant 64 : index
      %swap3A_72 = tpu.vector_load %arg11[%swap3A_70, %swap3A_71] {strides = array<i32>} : memref<80x128xf32, #tpu.memory_space<vmem>>, vector<1x16xf32>,
      %swap3A_73 = vector.shape_cast %swap3A_72 : vector<1x16xf32> to vector<16xf32>
      %swap3A_74 = vector.shape_cast %broadcast_in_dim3A_0 : vector<16xf32> to vector<1x16xf32>
      tpu.vector_store %arg11[%swap3A_70, %swap3A_71], %swap3A_74 {strides = array<i32>} : memref<80x128xf32, #tpu.memory_space<vmem>>, vector<1x16xf32>,
      %swap3A_75 = arith.index_cast %scan3A_50 : i32 to index
      %swap3A_76 = arith.constant 80 : index
      %swap3A_77 = tpu.vector_load %arg11[%swap3A_75, %swap3A_76] {strides = array<i32>} : memref<80x128xf32, #tpu.memory_space<vmem>>, vector<1x16xf32>,
      %swap3A_78 = vector.shape_cast %swap3A_77 : vector<1x16xf32> to vector<16xf32>
      %swap3A_79 = vector.shape_cast %broadcast_in_dim3A_0 : vector<16xf32> to vector<1x16xf32>
      tpu.vector_store %arg11[%swap3A_75, %swap3A_76], %swap3A_79 {strides = array<i32>} : memref<80x128xf32, #tpu.memory_space<vmem>>, vector<1x16xf32>,
      %swap3A_80 = arith.index_cast %scan3A_50 : i32 to index
      %swap3A_81 = arith.constant 96 : index
      %swap3A_82 = tpu.vector_load %arg11[%swap3A_80, %swap3A_81] {strides = array<i32>} : memref<80x128xf32, #tpu.memory_space<vmem>>, vector<1x16xf32>,
      %swap3A_83 = vector.shape_cast %swap3A_82 : vector<1x16xf32> to vector<16xf32>
      %swap3A_84 = vector.shape_cast %broadcast_in_dim3A_0 : vector<16xf32> to vector<1x16xf32>
      tpu.vector_store %arg11[%swap3A_80, %swap3A_81], %swap3A_84 {strides = array<i32>} : memref<80x128xf32, #tpu.memory_space<vmem>>, vector<1x16xf32>,
      %swap3A_85 = arith.index_cast %scan3A_50 : i32 to index
      %swap3A_86 = arith.constant 112 : index
      %swap3A_87 = tpu.vector_load %arg11[%swap3A_85, %swap3A_86] {strides = array<i32>} : memref<80x128xf32, #tpu.memory_space<vmem>>, vector<1x16xf32>,
      %swap3A_88 = vector.shape_cast %swap3A_87 : vector<1x16xf32> to vector<16xf32>
      %swap3A_89 = vector.shape_cast %broadcast_in_dim3A_0 : vector<16xf32> to vector<1x16xf32>
      tpu.vector_store %arg11[%swap3A_85, %swap3A_86], %swap3A_89 {strides = array<i32>} : memref<80x128xf32, #tpu.memory_space<vmem>>, vector<1x16xf32>,
      %swap3A_90 = arith.index_cast %scan3A_50 : i32 to index
      %swap3A_91 = arith.constant 0 : index
      %swap3A_92 = tpu.vector_load %arg12[%swap3A_90, %swap3A_91] {strides = array<i32>} : memref<80x16xf32, #tpu.memory_space<vmem>>, vector<1x16xf32>,
      %swap3A_93 = vector.shape_cast %swap3A_92 : vector<1x16xf32> to vector<16xf32>
      %swap3A_94 = vector.shape_cast %broadcast_in_dim3A_2 : vector<16xf32> to vector<1x16xf32>
      tpu.vector_store %arg12[%swap3A_90, %swap3A_91], %swap3A_94 {strides = array<i32>} : memref<80x16xf32, #tpu.memory_space<vmem>>, vector<1x16xf32>,
      %swap3A_95 = arith.index_cast %scan3A_50 : i32 to index
      %swap3A_96 = arith.constant 0 : index
      %swap3A_97 = tpu.vector_load %arg13[%swap3A_95, %swap3A_96] {strides = array<i32>} : memref<80x16xf32, #tpu.memory_space<vmem>>, vector<1x16xf32>,
      %swap3A_98 = vector.shape_cast %swap3A_97 : vector<1x16xf32> to vector<16xf32>
      %swap3A_99 = vector.shape_cast %broadcast_in_dim3A_0 : vector<16xf32> to vector<1x16xf32>
      tpu.vector_store %arg13[%swap3A_95, %swap3A_96], %swap3A_99 {strides = array<i32>} : memref<80x16xf32, #tpu.memory_space<vmem>>, vector<1x16xf32>,
    }
    %scan3A_7 = arith.constant 80 : i32
    %mul3A = arith.constant 625 : i32
    %mul3A_8 = arith.muli %arg1, %mul3A : i32
    %add3A = arith.constant 0 : i32
    %add3A_9 = arith.addi %mul3A_8, %add3A : i32
    "tpu.region"() ({
      %run_scoped3A = tpu.sem_alloc : memref<!tpu.dma_semaphore, #tpu.memory_space<semaphore_mem>>
      %dma_start3A = arith.constant 0 : i32
      %dma_start3A_50 = tpu.memref_slice %arg7[%add3A_9, %dma_start3A] : memref<10000x128xf32, #tpu.memory_space<vmem_shared>> -> memref<80x128xf32, #tpu.memory_space<vmem_shared>>
      %dma_start3A_51 = arith.constant 0 : i32
      %dma_start3A_52 = tpu.memref_slice %arg7[%add3A_9, %dma_start3A_51] : memref<10000x128xf32, #tpu.memory_space<vmem_shared>> -> memref<80x128xf32, #tpu.memory_space<vmem_shared>>
      tpu.enqueue_dma source(%arg11 : memref<80x128xf32, #tpu.memory_space<vmem>>) target(%dma_start3A_52 : memref<80x128xf32, #tpu.memory_space<vmem_shared>>) target_semaphore(%run_scoped3A : memref<!tpu.dma_semaphore, #tpu.memory_space<semaphore_mem>>)
      %dma_wait3A = arith.constant 0 : i32
      %dma_wait3A_53 = tpu.memref_slice %arg7[%add3A_9, %dma_wait3A] : memref<10000x128xf32, #tpu.memory_space<vmem_shared>> -> memref<80x128xf32, #tpu.memory_space<vmem_shared>>
      %dma_wait3A_54 = arith.constant 0 : i32
      %dma_wait3A_55 = tpu.memref_slice %arg7[%add3A_9, %dma_wait3A_54] : memref<10000x128xf32, #tpu.memory_space<vmem_shared>> -> memref<80x128xf32, #tpu.memory_space<vmem_shared>>
      tpu.wait_dma2 semaphore(%run_scoped3A : memref<!tpu.dma_semaphore, #tpu.memory_space<semaphore_mem>>) src(%arg11 : memref<80x128xf32, #tpu.memory_space<vmem>>) dst(%dma_wait3A_55 : memref<80x128xf32, #tpu.memory_space<vmem_shared>>)
      tpu.yield
    }) : () -> ()
    %add3A_10 = arith.constant 0 : i32
    %add3A_11 = arith.addi %mul3A_8, %add3A_10 : i32
    "tpu.region"() ({
      %run_scoped3A = tpu.sem_alloc : memref<!tpu.dma_semaphore, #tpu.memory_space<semaphore_mem>>
      %dma_start3A = arith.constant 0 : i32
      %dma_start3A_50 = tpu.memref_slice %arg8[%add3A_11, %dma_start3A] : memref<10000x16xf32, #tpu.memory_space<vmem_shared>> -> memref<80x16xf32, #tpu.memory_space<vmem_shared>>
      %dma_start3A_51 = arith.constant 0 : i32
      %dma_start3A_52 = tpu.memref_slice %arg8[%add3A_11, %dma_start3A_51] : memref<10000x16xf32, #tpu.memory_space<vmem_shared>> -> memref<80x16xf32, #tpu.memory_space<vmem_shared>>
      tpu.enqueue_dma source(%arg13 : memref<80x16xf32, #tpu.memory_space<vmem>>) target(%dma_start3A_52 : memref<80x16xf32, #tpu.memory_space<vmem_shared>>) target_semaphore(%run_scoped3A : memref<!tpu.dma_semaphore, #tpu.memory_space<semaphore_mem>>)
      %dma_wait3A = arith.constant 0 : i32
      %dma_wait3A_53 = tpu.memref_slice %arg8[%add3A_11, %dma_wait3A] : memref<10000x16xf32, #tpu.memory_space<vmem_shared>> -> memref<80x16xf32, #tpu.memory_space<vmem_shared>>
      %dma_wait3A_54 = arith.constant 0 : i32
      %dma_wait3A_55 = tpu.memref_slice %arg8[%add3A_11, %dma_wait3A_54] : memref<10000x16xf32, #tpu.memory_space<vmem_shared>> -> memref<80x16xf32, #tpu.memory_space<vmem_shared>>
      tpu.wait_dma2 semaphore(%run_scoped3A : memref<!tpu.dma_semaphore, #tpu.memory_space<semaphore_mem>>) src(%arg13 : memref<80x16xf32, #tpu.memory_space<vmem>>) dst(%dma_wait3A_55 : memref<80x16xf32, #tpu.memory_space<vmem_shared>>)
      tpu.yield
    }) : () -> ()
    %add3A_12 = arith.constant 80 : i32
    %add3A_13 = arith.addi %mul3A_8, %add3A_12 : i32
    "tpu.region"() ({
      %run_scoped3A = tpu.sem_alloc : memref<!tpu.dma_semaphore, #tpu.memory_space<semaphore_mem>>
      %dma_start3A = arith.constant 0 : i32
      %dma_start3A_50 = tpu.memref_slice %arg7[%add3A_13, %dma_start3A] : memref<10000x128xf32, #tpu.memory_space<vmem_shared>> -> memref<80x128xf32, #tpu.memory_space<vmem_shared>>
      %dma_start3A_51 = arith.constant 0 : i32
      %dma_start3A_52 = tpu.memref_slice %arg7[%add3A_13, %dma_start3A_51] : memref<10000x128xf32, #tpu.memory_space<vmem_shared>> -> memref<80x128xf32, #tpu.memory_space<vmem_shared>>
      tpu.enqueue_dma source(%arg11 : memref<80x128xf32, #tpu.memory_space<vmem>>) target(%dma_start3A_52 : memref<80x128xf32, #tpu.memory_space<vmem_shared>>) target_semaphore(%run_scoped3A : memref<!tpu.dma_semaphore, #tpu.memory_space<semaphore_mem>>)
      %dma_wait3A = arith.constant 0 : i32
      %dma_wait3A_53 = tpu.memref_slice %arg7[%add3A_13, %dma_wait3A] : memref<10000x128xf32, #tpu.memory_space<vmem_shared>> -> memref<80x128xf32, #tpu.memory_space<vmem_shared>>
      %dma_wait3A_54 = arith.constant 0 : i32
      %dma_wait3A_55 = tpu.memref_slice %arg7[%add3A_13, %dma_wait3A_54] : memref<10000x128xf32, #tpu.memory_space<vmem_shared>> -> memref<80x128xf32, #tpu.memory_space<vmem_shared>>
      tpu.wait_dma2 semaphore(%run_scoped3A : memref<!tpu.dma_semaphore, #tpu.memory_space<semaphore_mem>>) src(%arg11 : memref<80x128xf32, #tpu.memory_space<vmem>>) dst(%dma_wait3A_55 : memref<80x128xf32, #tpu.memory_space<vmem_shared>>)
      tpu.yield
    }) : () -> ()
    %add3A_14 = arith.constant 80 : i32
    %add3A_15 = arith.addi %mul3A_8, %add3A_14 : i32
    "tpu.region"() ({
      %run_scoped3A = tpu.sem_alloc : memref<!tpu.dma_semaphore, #tpu.memory_space<semaphore_mem>>
      %dma_start3A = arith.constant 0 : i32
      %dma_start3A_50 = tpu.memref_slice %arg8[%add3A_15, %dma_start3A] : memref<10000x16xf32, #tpu.memory_space<vmem_shared>> -> memref<80x16xf32, #tpu.memory_space<vmem_shared>>
      %dma_start3A_51 = arith.constant 0 : i32
      %dma_start3A_52 = tpu.memref_slice %arg8[%add3A_15, %dma_start3A_51] : memref<10000x16xf32, #tpu.memory_space<vmem_shared>> -> memref<80x16xf32, #tpu.memory_space<vmem_shared>>
      tpu.enqueue_dma source(%arg13 : memref<80x16xf32, #tpu.memory_space<vmem>>) target(%dma_start3A_52 : memref<80x16xf32, #tpu.memory_space<vmem_shared>>) target_semaphore(%run_scoped3A : memref<!tpu.dma_semaphore, #tpu.memory_space<semaphore_mem>>)
      %dma_wait3A = arith.constant 0 : i32
      %dma_wait3A_53 = tpu.memref_slice %arg8[%add3A_15, %dma_wait3A] : memref<10000x16xf32, #tpu.memory_space<vmem_shared>> -> memref<80x16xf32, #tpu.memory_space<vmem_shared>>
      %dma_wait3A_54 = arith.constant 0 : i32
      %dma_wait3A_55 = tpu.memref_slice %arg8[%add3A_15, %dma_wait3A_54] : memref<10000x16xf32, #tpu.memory_space<vmem_shared>> -> memref<80x16xf32, #tpu.memory_space<vmem_shared>>
      tpu.wait_dma2 semaphore(%run_scoped3A : memref<!tpu.dma_semaphore, #tpu.memory_space<semaphore_mem>>) src(%arg13 : memref<80x16xf32, #tpu.memory_space<vmem>>) dst(%dma_wait3A_55 : memref<80x16xf32, #tpu.memory_space<vmem_shared>>)
      tpu.yield
    }) : () -> ()
    %add3A_16 = arith.constant 160 : i32
    %add3A_17 = arith.addi %mul3A_8, %add3A_16 : i32
    "tpu.region"() ({
      %run_scoped3A = tpu.sem_alloc : memref<!tpu.dma_semaphore, #tpu.memory_space<semaphore_mem>>
      %dma_start3A = arith.constant 0 : i32
      %dma_start3A_50 = tpu.memref_slice %arg7[%add3A_17, %dma_start3A] : memref<10000x128xf32, #tpu.memory_space<vmem_shared>> -> memref<80x128xf32, #tpu.memory_space<vmem_shared>>
      %dma_start3A_51 = arith.constant 0 : i32
      %dma_start3A_52 = tpu.memref_slice %arg7[%add3A_17, %dma_start3A_51] : memref<10000x128xf32, #tpu.memory_space<vmem_shared>> -> memref<80x128xf32, #tpu.memory_space<vmem_shared>>
      tpu.enqueue_dma source(%arg11 : memref<80x128xf32, #tpu.memory_space<vmem>>) target(%dma_start3A_52 : memref<80x128xf32, #tpu.memory_space<vmem_shared>>) target_semaphore(%run_scoped3A : memref<!tpu.dma_semaphore, #tpu.memory_space<semaphore_mem>>)
      %dma_wait3A = arith.constant 0 : i32
      %dma_wait3A_53 = tpu.memref_slice %arg7[%add3A_17, %dma_wait3A] : memref<10000x128xf32, #tpu.memory_space<vmem_shared>> -> memref<80x128xf32, #tpu.memory_space<vmem_shared>>
      %dma_wait3A_54 = arith.constant 0 : i32
      %dma_wait3A_55 = tpu.memref_slice %arg7[%add3A_17, %dma_wait3A_54] : memref<10000x128xf32, #tpu.memory_space<vmem_shared>> -> memref<80x128xf32, #tpu.memory_space<vmem_shared>>
      tpu.wait_dma2 semaphore(%run_scoped3A : memref<!tpu.dma_semaphore, #tpu.memory_space<semaphore_mem>>) src(%arg11 : memref<80x128xf32, #tpu.memory_space<vmem>>) dst(%dma_wait3A_55 : memref<80x128xf32, #tpu.memory_space<vmem_shared>>)
      tpu.yield
    }) : () -> ()
    %add3A_18 = arith.constant 160 : i32
    %add3A_19 = arith.addi %mul3A_8, %add3A_18 : i32
    "tpu.region"() ({
      %run_scoped3A = tpu.sem_alloc : memref<!tpu.dma_semaphore, #tpu.memory_space<semaphore_mem>>
      %dma_start3A = arith.constant 0 : i32
      %dma_start3A_50 = tpu.memref_slice %arg8[%add3A_19, %dma_start3A] : memref<10000x16xf32, #tpu.memory_space<vmem_shared>> -> memref<80x16xf32, #tpu.memory_space<vmem_shared>>
      %dma_start3A_51 = arith.constant 0 : i32
      %dma_start3A_52 = tpu.memref_slice %arg8[%add3A_19, %dma_start3A_51] : memref<10000x16xf32, #tpu.memory_space<vmem_shared>> -> memref<80x16xf32, #tpu.memory_space<vmem_shared>>
      tpu.enqueue_dma source(%arg13 : memref<80x16xf32, #tpu.memory_space<vmem>>) target(%dma_start3A_52 : memref<80x16xf32, #tpu.memory_space<vmem_shared>>) target_semaphore(%run_scoped3A : memref<!tpu.dma_semaphore, #tpu.memory_space<semaphore_mem>>)
      %dma_wait3A = arith.constant 0 : i32
      %dma_wait3A_53 = tpu.memref_slice %arg8[%add3A_19, %dma_wait3A] : memref<10000x16xf32, #tpu.memory_space<vmem_shared>> -> memref<80x16xf32, #tpu.memory_space<vmem_shared>>
      %dma_wait3A_54 = arith.constant 0 : i32
      %dma_wait3A_55 = tpu.memref_slice %arg8[%add3A_19, %dma_wait3A_54] : memref<10000x16xf32, #tpu.memory_space<vmem_shared>> -> memref<80x16xf32, #tpu.memory_space<vmem_shared>>
      tpu.wait_dma2 semaphore(%run_scoped3A : memref<!tpu.dma_semaphore, #tpu.memory_space<semaphore_mem>>) src(%arg13 : memref<80x16xf32, #tpu.memory_space<vmem>>) dst(%dma_wait3A_55 : memref<80x16xf32, #tpu.memory_space<vmem_shared>>)
      tpu.yield
    }) : () -> ()
    %add3A_20 = arith.constant 240 : i32
    %add3A_21 = arith.addi %mul3A_8, %add3A_20 : i32
    "tpu.region"() ({
      %run_scoped3A = tpu.sem_alloc : memref<!tpu.dma_semaphore, #tpu.memory_space<semaphore_mem>>
      %dma_start3A = arith.constant 0 : i32
      %dma_start3A_50 = tpu.memref_slice %arg7[%add3A_21, %dma_start3A] : memref<10000x128xf32, #tpu.memory_space<vmem_shared>> -> memref<80x128xf32, #tpu.memory_space<vmem_shared>>
      %dma_start3A_51 = arith.constant 0 : i32
      %dma_start3A_52 = tpu.memref_slice %arg7[%add3A_21, %dma_start3A_51] : memref<10000x128xf32, #tpu.memory_space<vmem_shared>> -> memref<80x128xf32, #tpu.memory_space<vmem_shared>>
      tpu.enqueue_dma source(%arg11 : memref<80x128xf32, #tpu.memory_space<vmem>>) target(%dma_start3A_52 : memref<80x128xf32, #tpu.memory_space<vmem_shared>>) target_semaphore(%run_scoped3A : memref<!tpu.dma_semaphore, #tpu.memory_space<semaphore_mem>>)
      %dma_wait3A = arith.constant 0 : i32
      %dma_wait3A_53 = tpu.memref_slice %arg7[%add3A_21, %dma_wait3A] : memref<10000x128xf32, #tpu.memory_space<vmem_shared>> -> memref<80x128xf32, #tpu.memory_space<vmem_shared>>
      %dma_wait3A_54 = arith.constant 0 : i32
      %dma_wait3A_55 = tpu.memref_slice %arg7[%add3A_21, %dma_wait3A_54] : memref<10000x128xf32, #tpu.memory_space<vmem_shared>> -> memref<80x128xf32, #tpu.memory_space<vmem_shared>>
      tpu.wait_dma2 semaphore(%run_scoped3A : memref<!tpu.dma_semaphore, #tpu.memory_space<semaphore_mem>>) src(%arg11 : memref<80x128xf32, #tpu.memory_space<vmem>>) dst(%dma_wait3A_55 : memref<80x128xf32, #tpu.memory_space<vmem_shared>>)
      tpu.yield
    }) : () -> ()
    %add3A_22 = arith.constant 240 : i32
    %add3A_23 = arith.addi %mul3A_8, %add3A_22 : i32
    "tpu.region"() ({
      %run_scoped3A = tpu.sem_alloc : memref<!tpu.dma_semaphore, #tpu.memory_space<semaphore_mem>>
      %dma_start3A = arith.constant 0 : i32
      %dma_start3A_50 = tpu.memref_slice %arg8[%add3A_23, %dma_start3A] : memref<10000x16xf32, #tpu.memory_space<vmem_shared>> -> memref<80x16xf32, #tpu.memory_space<vmem_shared>>
      %dma_start3A_51 = arith.constant 0 : i32
      %dma_start3A_52 = tpu.memref_slice %arg8[%add3A_23, %dma_start3A_51] : memref<10000x16xf32, #tpu.memory_space<vmem_shared>> -> memref<80x16xf32, #tpu.memory_space<vmem_shared>>
      tpu.enqueue_dma source(%arg13 : memref<80x16xf32, #tpu.memory_space<vmem>>) target(%dma_start3A_52 : memref<80x16xf32, #tpu.memory_space<vmem_shared>>) target_semaphore(%run_scoped3A : memref<!tpu.dma_semaphore, #tpu.memory_space<semaphore_mem>>)
      %dma_wait3A = arith.constant 0 : i32
      %dma_wait3A_53 = tpu.memref_slice %arg8[%add3A_23, %dma_wait3A] : memref<10000x16xf32, #tpu.memory_space<vmem_shared>> -> memref<80x16xf32, #tpu.memory_space<vmem_shared>>
      %dma_wait3A_54 = arith.constant 0 : i32
      %dma_wait3A_55 = tpu.memref_slice %arg8[%add3A_23, %dma_wait3A_54] : memref<10000x16xf32, #tpu.memory_space<vmem_shared>> -> memref<80x16xf32, #tpu.memory_space<vmem_shared>>
      tpu.wait_dma2 semaphore(%run_scoped3A : memref<!tpu.dma_semaphore, #tpu.memory_space<semaphore_mem>>) src(%arg13 : memref<80x16xf32, #tpu.memory_space<vmem>>) dst(%dma_wait3A_55 : memref<80x16xf32, #tpu.memory_space<vmem_shared>>)
      tpu.yield
    }) : () -> ()
    %add3A_24 = arith.constant 320 : i32
    %add3A_25 = arith.addi %mul3A_8, %add3A_24 : i32
    "tpu.region"() ({
      %run_scoped3A = tpu.sem_alloc : memref<!tpu.dma_semaphore, #tpu.memory_space<semaphore_mem>>
      %dma_start3A = arith.constant 0 : i32
      %dma_start3A_50 = tpu.memref_slice %arg7[%add3A_25, %dma_start3A] : memref<10000x128xf32, #tpu.memory_space<vmem_shared>> -> memref<80x128xf32, #tpu.memory_space<vmem_shared>>
      %dma_start3A_51 = arith.constant 0 : i32
      %dma_start3A_52 = tpu.memref_slice %arg7[%add3A_25, %dma_start3A_51] : memref<10000x128xf32, #tpu.memory_space<vmem_shared>> -> memref<80x128xf32, #tpu.memory_space<vmem_shared>>
      tpu.enqueue_dma source(%arg11 : memref<80x128xf32, #tpu.memory_space<vmem>>) target(%dma_start3A_52 : memref<80x128xf32, #tpu.memory_space<vmem_shared>>) target_semaphore(%run_scoped3A : memref<!tpu.dma_semaphore, #tpu.memory_space<semaphore_mem>>)
      %dma_wait3A = arith.constant 0 : i32
      %dma_wait3A_53 = tpu.memref_slice %arg7[%add3A_25, %dma_wait3A] : memref<10000x128xf32, #tpu.memory_space<vmem_shared>> -> memref<80x128xf32, #tpu.memory_space<vmem_shared>>
      %dma_wait3A_54 = arith.constant 0 : i32
      %dma_wait3A_55 = tpu.memref_slice %arg7[%add3A_25, %dma_wait3A_54] : memref<10000x128xf32, #tpu.memory_space<vmem_shared>> -> memref<80x128xf32, #tpu.memory_space<vmem_shared>>
      tpu.wait_dma2 semaphore(%run_scoped3A : memref<!tpu.dma_semaphore, #tpu.memory_space<semaphore_mem>>) src(%arg11 : memref<80x128xf32, #tpu.memory_space<vmem>>) dst(%dma_wait3A_55 : memref<80x128xf32, #tpu.memory_space<vmem_shared>>)
      tpu.yield
    }) : () -> ()
    %add3A_26 = arith.constant 320 : i32
    %add3A_27 = arith.addi %mul3A_8, %add3A_26 : i32
    "tpu.region"() ({
      %run_scoped3A = tpu.sem_alloc : memref<!tpu.dma_semaphore, #tpu.memory_space<semaphore_mem>>
      %dma_start3A = arith.constant 0 : i32
      %dma_start3A_50 = tpu.memref_slice %arg8[%add3A_27, %dma_start3A] : memref<10000x16xf32, #tpu.memory_space<vmem_shared>> -> memref<80x16xf32, #tpu.memory_space<vmem_shared>>
      %dma_start3A_51 = arith.constant 0 : i32
      %dma_start3A_52 = tpu.memref_slice %arg8[%add3A_27, %dma_start3A_51] : memref<10000x16xf32, #tpu.memory_space<vmem_shared>> -> memref<80x16xf32, #tpu.memory_space<vmem_shared>>
      tpu.enqueue_dma source(%arg13 : memref<80x16xf32, #tpu.memory_space<vmem>>) target(%dma_start3A_52 : memref<80x16xf32, #tpu.memory_space<vmem_shared>>) target_semaphore(%run_scoped3A : memref<!tpu.dma_semaphore, #tpu.memory_space<semaphore_mem>>)
      %dma_wait3A = arith.constant 0 : i32
      %dma_wait3A_53 = tpu.memref_slice %arg8[%add3A_27, %dma_wait3A] : memref<10000x16xf32, #tpu.memory_space<vmem_shared>> -> memref<80x16xf32, #tpu.memory_space<vmem_shared>>
      %dma_wait3A_54 = arith.constant 0 : i32
      %dma_wait3A_55 = tpu.memref_slice %arg8[%add3A_27, %dma_wait3A_54] : memref<10000x16xf32, #tpu.memory_space<vmem_shared>> -> memref<80x16xf32, #tpu.memory_space<vmem_shared>>
      tpu.wait_dma2 semaphore(%run_scoped3A : memref<!tpu.dma_semaphore, #tpu.memory_space<semaphore_mem>>) src(%arg13 : memref<80x16xf32, #tpu.memory_space<vmem>>) dst(%dma_wait3A_55 : memref<80x16xf32, #tpu.memory_space<vmem_shared>>)
      tpu.yield
    }) : () -> ()
    %add3A_28 = arith.constant 400 : i32
    %add3A_29 = arith.addi %mul3A_8, %add3A_28 : i32
    "tpu.region"() ({
      %run_scoped3A = tpu.sem_alloc : memref<!tpu.dma_semaphore, #tpu.memory_space<semaphore_mem>>
      %dma_start3A = arith.constant 0 : i32
      %dma_start3A_50 = tpu.memref_slice %arg7[%add3A_29, %dma_start3A] : memref<10000x128xf32, #tpu.memory_space<vmem_shared>> -> memref<80x128xf32, #tpu.memory_space<vmem_shared>>
      %dma_start3A_51 = arith.constant 0 : i32
      %dma_start3A_52 = tpu.memref_slice %arg7[%add3A_29, %dma_start3A_51] : memref<10000x128xf32, #tpu.memory_space<vmem_shared>> -> memref<80x128xf32, #tpu.memory_space<vmem_shared>>
      tpu.enqueue_dma source(%arg11 : memref<80x128xf32, #tpu.memory_space<vmem>>) target(%dma_start3A_52 : memref<80x128xf32, #tpu.memory_space<vmem_shared>>) target_semaphore(%run_scoped3A : memref<!tpu.dma_semaphore, #tpu.memory_space<semaphore_mem>>)
      %dma_wait3A = arith.constant 0 : i32
      %dma_wait3A_53 = tpu.memref_slice %arg7[%add3A_29, %dma_wait3A] : memref<10000x128xf32, #tpu.memory_space<vmem_shared>> -> memref<80x128xf32, #tpu.memory_space<vmem_shared>>
      %dma_wait3A_54 = arith.constant 0 : i32
      %dma_wait3A_55 = tpu.memref_slice %arg7[%add3A_29, %dma_wait3A_54] : memref<10000x128xf32, #tpu.memory_space<vmem_shared>> -> memref<80x128xf32, #tpu.memory_space<vmem_shared>>
      tpu.wait_dma2 semaphore(%run_scoped3A : memref<!tpu.dma_semaphore, #tpu.memory_space<semaphore_mem>>) src(%arg11 : memref<80x128xf32, #tpu.memory_space<vmem>>) dst(%dma_wait3A_55 : memref<80x128xf32, #tpu.memory_space<vmem_shared>>)
      tpu.yield
    }) : () -> ()
    %add3A_30 = arith.constant 400 : i32
    %add3A_31 = arith.addi %mul3A_8, %add3A_30 : i32
    "tpu.region"() ({
      %run_scoped3A = tpu.sem_alloc : memref<!tpu.dma_semaphore, #tpu.memory_space<semaphore_mem>>
      %dma_start3A = arith.constant 0 : i32
      %dma_start3A_50 = tpu.memref_slice %arg8[%add3A_31, %dma_start3A] : memref<10000x16xf32, #tpu.memory_space<vmem_shared>> -> memref<80x16xf32, #tpu.memory_space<vmem_shared>>
      %dma_start3A_51 = arith.constant 0 : i32
      %dma_start3A_52 = tpu.memref_slice %arg8[%add3A_31, %dma_start3A_51] : memref<10000x16xf32, #tpu.memory_space<vmem_shared>> -> memref<80x16xf32, #tpu.memory_space<vmem_shared>>
      tpu.enqueue_dma source(%arg13 : memref<80x16xf32, #tpu.memory_space<vmem>>) target(%dma_start3A_52 : memref<80x16xf32, #tpu.memory_space<vmem_shared>>) target_semaphore(%run_scoped3A : memref<!tpu.dma_semaphore, #tpu.memory_space<semaphore_mem>>)
      %dma_wait3A = arith.constant 0 : i32
      %dma_wait3A_53 = tpu.memref_slice %arg8[%add3A_31, %dma_wait3A] : memref<10000x16xf32, #tpu.memory_space<vmem_shared>> -> memref<80x16xf32, #tpu.memory_space<vmem_shared>>
      %dma_wait3A_54 = arith.constant 0 : i32
      %dma_wait3A_55 = tpu.memref_slice %arg8[%add3A_31, %dma_wait3A_54] : memref<10000x16xf32, #tpu.memory_space<vmem_shared>> -> memref<80x16xf32, #tpu.memory_space<vmem_shared>>
      tpu.wait_dma2 semaphore(%run_scoped3A : memref<!tpu.dma_semaphore, #tpu.memory_space<semaphore_mem>>) src(%arg13 : memref<80x16xf32, #tpu.memory_space<vmem>>) dst(%dma_wait3A_55 : memref<80x16xf32, #tpu.memory_space<vmem_shared>>)
      tpu.yield
    }) : () -> ()
    %add3A_32 = arith.constant 480 : i32
    %add3A_33 = arith.addi %mul3A_8, %add3A_32 : i32
    "tpu.region"() ({
      %run_scoped3A = tpu.sem_alloc : memref<!tpu.dma_semaphore, #tpu.memory_space<semaphore_mem>>
      %dma_start3A = arith.constant 0 : i32
      %dma_start3A_50 = tpu.memref_slice %arg7[%add3A_33, %dma_start3A] : memref<10000x128xf32, #tpu.memory_space<vmem_shared>> -> memref<80x128xf32, #tpu.memory_space<vmem_shared>>
      %dma_start3A_51 = arith.constant 0 : i32
      %dma_start3A_52 = tpu.memref_slice %arg7[%add3A_33, %dma_start3A_51] : memref<10000x128xf32, #tpu.memory_space<vmem_shared>> -> memref<80x128xf32, #tpu.memory_space<vmem_shared>>
      tpu.enqueue_dma source(%arg11 : memref<80x128xf32, #tpu.memory_space<vmem>>) target(%dma_start3A_52 : memref<80x128xf32, #tpu.memory_space<vmem_shared>>) target_semaphore(%run_scoped3A : memref<!tpu.dma_semaphore, #tpu.memory_space<semaphore_mem>>)
      %dma_wait3A = arith.constant 0 : i32
      %dma_wait3A_53 = tpu.memref_slice %arg7[%add3A_33, %dma_wait3A] : memref<10000x128xf32, #tpu.memory_space<vmem_shared>> -> memref<80x128xf32, #tpu.memory_space<vmem_shared>>
      %dma_wait3A_54 = arith.constant 0 : i32
      %dma_wait3A_55 = tpu.memref_slice %arg7[%add3A_33, %dma_wait3A_54] : memref<10000x128xf32, #tpu.memory_space<vmem_shared>> -> memref<80x128xf32, #tpu.memory_space<vmem_shared>>
      tpu.wait_dma2 semaphore(%run_scoped3A : memref<!tpu.dma_semaphore, #tpu.memory_space<semaphore_mem>>) src(%arg11 : memref<80x128xf32, #tpu.memory_space<vmem>>) dst(%dma_wait3A_55 : memref<80x128xf32, #tpu.memory_space<vmem_shared>>)
      tpu.yield
    }) : () -> ()
    %add3A_34 = arith.constant 480 : i32
    %add3A_35 = arith.addi %mul3A_8, %add3A_34 : i32
    "tpu.region"() ({
      %run_scoped3A = tpu.sem_alloc : memref<!tpu.dma_semaphore, #tpu.memory_space<semaphore_mem>>
      %dma_start3A = arith.constant 0 : i32
      %dma_start3A_50 = tpu.memref_slice %arg8[%add3A_35, %dma_start3A] : memref<10000x16xf32, #tpu.memory_space<vmem_shared>> -> memref<80x16xf32, #tpu.memory_space<vmem_shared>>
      %dma_start3A_51 = arith.constant 0 : i32
      %dma_start3A_52 = tpu.memref_slice %arg8[%add3A_35, %dma_start3A_51] : memref<10000x16xf32, #tpu.memory_space<vmem_shared>> -> memref<80x16xf32, #tpu.memory_space<vmem_shared>>
      tpu.enqueue_dma source(%arg13 : memref<80x16xf32, #tpu.memory_space<vmem>>) target(%dma_start3A_52 : memref<80x16xf32, #tpu.memory_space<vmem_shared>>) target_semaphore(%run_scoped3A : memref<!tpu.dma_semaphore, #tpu.memory_space<semaphore_mem>>)
      %dma_wait3A = arith.constant 0 : i32
      %dma_wait3A_53 = tpu.memref_slice %arg8[%add3A_35, %dma_wait3A] : memref<10000x16xf32, #tpu.memory_space<vmem_shared>> -> memref<80x16xf32, #tpu.memory_space<vmem_shared>>
      %dma_wait3A_54 = arith.constant 0 : i32
      %dma_wait3A_55 = tpu.memref_slice %arg8[%add3A_35, %dma_wait3A_54] : memref<10000x16xf32, #tpu.memory_space<vmem_shared>> -> memref<80x16xf32, #tpu.memory_space<vmem_shared>>
      tpu.wait_dma2 semaphore(%run_scoped3A : memref<!tpu.dma_semaphore, #tpu.memory_space<semaphore_mem>>) src(%arg13 : memref<80x16xf32, #tpu.memory_space<vmem>>) dst(%dma_wait3A_55 : memref<80x16xf32, #tpu.memory_space<vmem_shared>>)
      tpu.yield
    }) : () -> ()
    %add3A_36 = arith.constant 560 : i32
    %add3A_37 = arith.addi %mul3A_8, %add3A_36 : i32
    "tpu.region"() ({
      %run_scoped3A = tpu.sem_alloc : memref<!tpu.dma_semaphore, #tpu.memory_space<semaphore_mem>>
      %dma_start3A = arith.constant 0 : i32
      %dma_start3A_50 = arith.constant 0 : i32
      %dma_start3A_51 = tpu.memref_slice %arg11[%dma_start3A, %dma_start3A_50] : memref<80x128xf32, #tpu.memory_space<vmem>> -> memref<65x128xf32, #tpu.memory_space<vmem>>
      %dma_start3A_52 = arith.constant 0 : i32
      %dma_start3A_53 = tpu.memref_slice %arg7[%add3A_37, %dma_start3A_52] : memref<10000x128xf32, #tpu.memory_space<vmem_shared>> -> memref<65x128xf32, #tpu.memory_space<vmem_shared>>
      %dma_start3A_54 = arith.constant 0 : i32
      %dma_start3A_55 = tpu.memref_slice %arg7[%add3A_37, %dma_start3A_54] : memref<10000x128xf32, #tpu.memory_space<vmem_shared>> -> memref<65x128xf32, #tpu.memory_space<vmem_shared>>
      %dma_start3A_56 = arith.constant 0 : i32
      %dma_start3A_57 = arith.constant 0 : i32
      %dma_start3A_58 = tpu.memref_slice %arg11[%dma_start3A_56, %dma_start3A_57] : memref<80x128xf32, #tpu.memory_space<vmem>> -> memref<65x128xf32, #tpu.memory_space<vmem>>
      tpu.enqueue_dma source(%dma_start3A_58 : memref<65x128xf32, #tpu.memory_space<vmem>>) target(%dma_start3A_55 : memref<65x128xf32, #tpu.memory_space<vmem_shared>>) target_semaphore(%run_scoped3A : memref<!tpu.dma_semaphore, #tpu.memory_space<semaphore_mem>>)
      %dma_wait3A = arith.constant 0 : i32
      %dma_wait3A_59 = arith.constant 0 : i32
      %dma_wait3A_60 = tpu.memref_slice %arg11[%dma_wait3A, %dma_wait3A_59] : memref<80x128xf32, #tpu.memory_space<vmem>> -> memref<65x128xf32, #tpu.memory_space<vmem>>
      %dma_wait3A_61 = arith.constant 0 : i32
      %dma_wait3A_62 = tpu.memref_slice %arg7[%add3A_37, %dma_wait3A_61] : memref<10000x128xf32, #tpu.memory_space<vmem_shared>> -> memref<65x128xf32, #tpu.memory_space<vmem_shared>>
      %dma_wait3A_63 = arith.constant 0 : i32
      %dma_wait3A_64 = tpu.memref_slice %arg7[%add3A_37, %dma_wait3A_63] : memref<10000x128xf32, #tpu.memory_space<vmem_shared>> -> memref<65x128xf32, #tpu.memory_space<vmem_shared>>
      %dma_wait3A_65 = arith.constant 0 : i32
      %dma_wait3A_66 = arith.constant 0 : i32
      %dma_wait3A_67 = tpu.memref_slice %arg11[%dma_wait3A_65, %dma_wait3A_66] : memref<80x128xf32, #tpu.memory_space<vmem>> -> memref<65x128xf32, #tpu.memory_space<vmem>>
      tpu.wait_dma2 semaphore(%run_scoped3A : memref<!tpu.dma_semaphore, #tpu.memory_space<semaphore_mem>>) src(%dma_wait3A_67 : memref<65x128xf32, #tpu.memory_space<vmem>>) dst(%dma_wait3A_64 : memref<65x128xf32, #tpu.memory_space<vmem_shared>>)
      tpu.yield
    }) : () -> ()
    "tpu.region"() ({
      %run_scoped3A = tpu.sem_alloc : memref<!tpu.dma_semaphore, #tpu.memory_space<semaphore_mem>>
      %dma_start3A = arith.constant 0 : i32
      %dma_start3A_50 = arith.constant 0 : i32
      %dma_start3A_51 = tpu.memref_slice %arg13[%dma_start3A, %dma_start3A_50] : memref<80x16xf32, #tpu.memory_space<vmem>> -> memref<65x16xf32, #tpu.memory_space<vmem>>
      %dma_start3A_52 = arith.constant 0 : i32
      %dma_start3A_53 = tpu.memref_slice %arg8[%add3A_37, %dma_start3A_52] : memref<10000x16xf32, #tpu.memory_space<vmem_shared>> -> memref<65x16xf32, #tpu.memory_space<vmem_shared>>
      %dma_start3A_54 = arith.constant 0 : i32
      %dma_start3A_55 = tpu.memref_slice %arg8[%add3A_37, %dma_start3A_54] : memref<10000x16xf32, #tpu.memory_space<vmem_shared>> -> memref<65x16xf32, #tpu.memory_space<vmem_shared>>
      %dma_start3A_56 = arith.constant 0 : i32
      %dma_start3A_57 = arith.constant 0 : i32
      %dma_start3A_58 = tpu.memref_slice %arg13[%dma_start3A_56, %dma_start3A_57] : memref<80x16xf32, #tpu.memory_space<vmem>> -> memref<65x16xf32, #tpu.memory_space<vmem>>
      tpu.enqueue_dma source(%dma_start3A_58 : memref<65x16xf32, #tpu.memory_space<vmem>>) target(%dma_start3A_55 : memref<65x16xf32, #tpu.memory_space<vmem_shared>>) target_semaphore(%run_scoped3A : memref<!tpu.dma_semaphore, #tpu.memory_space<semaphore_mem>>)
      %dma_wait3A = arith.constant 0 : i32
      %dma_wait3A_59 = arith.constant 0 : i32
      %dma_wait3A_60 = tpu.memref_slice %arg13[%dma_wait3A, %dma_wait3A_59] : memref<80x16xf32, #tpu.memory_space<vmem>> -> memref<65x16xf32, #tpu.memory_space<vmem>>
      %dma_wait3A_61 = arith.constant 0 : i32
      %dma_wait3A_62 = tpu.memref_slice %arg8[%add3A_37, %dma_wait3A_61] : memref<10000x16xf32, #tpu.memory_space<vmem_shared>> -> memref<65x16xf32, #tpu.memory_space<vmem_shared>>
      %dma_wait3A_63 = arith.constant 0 : i32
      %dma_wait3A_64 = tpu.memref_slice %arg8[%add3A_37, %dma_wait3A_63] : memref<10000x16xf32, #tpu.memory_space<vmem_shared>> -> memref<65x16xf32, #tpu.memory_space<vmem_shared>>
      %dma_wait3A_65 = arith.constant 0 : i32
      %dma_wait3A_66 = arith.constant 0 : i32
      %dma_wait3A_67 = tpu.memref_slice %arg13[%dma_wait3A_65, %dma_wait3A_66] : memref<80x16xf32, #tpu.memory_space<vmem>> -> memref<65x16xf32, #tpu.memory_space<vmem>>
      tpu.wait_dma2 semaphore(%run_scoped3A : memref<!tpu.dma_semaphore, #tpu.memory_space<semaphore_mem>>) src(%dma_wait3A_67 : memref<65x16xf32, #tpu.memory_space<vmem>>) dst(%dma_wait3A_64 : memref<65x16xf32, #tpu.memory_space<vmem_shared>>)
      tpu.yield
    }) : () -> ()
    %mul3A_38 = arith.constant 16 : i32
    %mul3A_39 = arith.muli %arg0, %mul3A_38 : i32
    %add3A_40 = arith.addi %mul3A_39, %arg1 : i32
    %mul3A_41 = arith.constant 125 : i32
    %mul3A_42 = arith.muli %add3A_40, %mul3A_41 : i32
    "tpu.region"() ({
      %run_scoped3A = tpu.sem_alloc : memref<!tpu.dma_semaphore, #tpu.memory_space<semaphore_mem>>
      %dma_start3A = arith.constant 0 : i32
      %dma_start3A_50 = tpu.memref_slice %arg3[%mul3A_42, %dma_start3A] : memref<4000x80xi32, #tpu.memory_space<hbm>> -> memref<125x80xi32, #tpu.memory_space<hbm>>
      %dma_start3A_51 = arith.constant 0 : i32
      %dma_start3A_52 = tpu.memref_slice %arg3[%mul3A_42, %dma_start3A_51] : memref<4000x80xi32, #tpu.memory_space<hbm>> -> memref<125x80xi32, #tpu.memory_space<hbm>>
      tpu.enqueue_dma source(%dma_start3A_52 : memref<125x80xi32, #tpu.memory_space<hbm>>) target(%arg9 : memref<125x80xi32, #tpu.memory_space<vmem>>) target_semaphore(%run_scoped3A : memref<!tpu.dma_semaphore, #tpu.memory_space<semaphore_mem>>)
      %dma_wait3A = arith.constant 0 : i32
      %dma_wait3A_53 = tpu.memref_slice %arg3[%mul3A_42, %dma_wait3A] : memref<4000x80xi32, #tpu.memory_space<hbm>> -> memref<125x80xi32, #tpu.memory_space<hbm>>
      %dma_wait3A_54 = arith.constant 0 : i32
      %dma_wait3A_55 = tpu.memref_slice %arg3[%mul3A_42, %dma_wait3A_54] : memref<4000x80xi32, #tpu.memory_space<hbm>> -> memref<125x80xi32, #tpu.memory_space<hbm>>
      tpu.wait_dma2 semaphore(%run_scoped3A : memref<!tpu.dma_semaphore, #tpu.memory_space<semaphore_mem>>) src(%dma_wait3A_55 : memref<125x80xi32, #tpu.memory_space<hbm>>) dst(%arg9 : memref<125x80xi32, #tpu.memory_space<vmem>>)
      tpu.yield
    }) : () -> ()
    "tpu.region"() ({
      %run_scoped3A = tpu.sem_alloc : memref<!tpu.dma_semaphore, #tpu.memory_space<semaphore_mem>>
      %dma_start3A = arith.constant 0 : i32
      %dma_start3A_50 = tpu.memref_slice %arg4[%mul3A_42, %dma_start3A] : memref<4000x80xi32, #tpu.memory_space<hbm>> -> memref<125x80xi32, #tpu.memory_space<hbm>>
      %dma_start3A_51 = arith.constant 0 : i32
      %dma_start3A_52 = tpu.memref_slice %arg4[%mul3A_42, %dma_start3A_51] : memref<4000x80xi32, #tpu.memory_space<hbm>> -> memref<125x80xi32, #tpu.memory_space<hbm>>
      tpu.enqueue_dma source(%dma_start3A_52 : memref<125x80xi32, #tpu.memory_space<hbm>>) target(%arg10 : memref<125x80xi32, #tpu.memory_space<vmem>>) target_semaphore(%run_scoped3A : memref<!tpu.dma_semaphore, #tpu.memory_space<semaphore_mem>>)
      %dma_wait3A = arith.constant 0 : i32
      %dma_wait3A_53 = tpu.memref_slice %arg4[%mul3A_42, %dma_wait3A] : memref<4000x80xi32, #tpu.memory_space<hbm>> -> memref<125x80xi32, #tpu.memory_space<hbm>>
      %dma_wait3A_54 = arith.constant 0 : i32
      %dma_wait3A_55 = tpu.memref_slice %arg4[%mul3A_42, %dma_wait3A_54] : memref<4000x80xi32, #tpu.memory_space<hbm>> -> memref<125x80xi32, #tpu.memory_space<hbm>>
      tpu.wait_dma2 semaphore(%run_scoped3A : memref<!tpu.dma_semaphore, #tpu.memory_space<semaphore_mem>>) src(%dma_wait3A_55 : memref<125x80xi32, #tpu.memory_space<hbm>>) dst(%arg10 : memref<125x80xi32, #tpu.memory_space<vmem>>)
      tpu.yield
    }) : () -> ()
    %barrier3A = arith.constant 0 : index
    tpu.barrier barrier_id(%barrier3A)
    %scan3A_43 = arith.constant 0 : i32
    %scan3A_44 = arith.constant 0 : i32
    %scan3A_45 = arith.constant 125 : i32
    %scan3A_46 = arith.addi %scan3A_44, %scan3A_45 : i32
    %scan3A_47 = arith.constant 1 : i32
    scf.for %scan3A_50 = %scan3A_44 to %scan3A_46 step %scan3A_47  : i32 {
      %dma_start3A = arith.constant 0 : i32
      %dma_start3A_51 = tpu.memref_slice %arg9[%scan3A_50, %dma_start3A] : memref<125x80xi32, #tpu.memory_space<vmem>> -> memref<1x80xi32, #tpu.memory_space<vmem>>
      %dma_start3A_52 = tpu.memref_squeeze %dma_start3A_51 : memref<1x80xi32, #tpu.memory_space<vmem>> -> memref<80xi32, #tpu.memory_space<vmem>>
      %dma_start3A_53 = arith.constant 0 : i32
      %dma_start3A_54 = arith.constant 0 : i32
      %dma_start3A_55 = tpu.memref_slice %arg2[%dma_start3A_53, %dma_start3A_54] : memref<10000x128xf32, #tpu.memory_space<hbm>> -> memref<10000x128xf32, #tpu.memory_space<hbm>>
      tpu.enqueue_indirect_dma source(%dma_start3A_55 : memref<10000x128xf32, #tpu.memory_space<hbm>>) target(%arg11 : memref<80x128xf32, #tpu.memory_space<vmem>>) offsets(%dma_start3A_52 : memref<80xi32, #tpu.memory_space<vmem>>) semaphore(%arg14 : memref<!tpu.dma_semaphore, #tpu.memory_space<semaphore_mem>>)
      %dma_wait3A = arith.constant 0 : i32
      %dma_wait3A_56 = tpu.memref_slice %arg9[%scan3A_50, %dma_wait3A] : memref<125x80xi32, #tpu.memory_space<vmem>> -> memref<1x80xi32, #tpu.memory_space<vmem>>
      %dma_wait3A_57 = tpu.memref_squeeze %dma_wait3A_56 : memref<1x80xi32, #tpu.memory_space<vmem>> -> memref<80xi32, #tpu.memory_space<vmem>>
      %dma_wait3A_58 = arith.constant 0 : i32
      %dma_wait3A_59 = arith.constant 0 : i32
      %dma_wait3A_60 = tpu.memref_slice %arg2[%dma_wait3A_58, %dma_wait3A_59] : memref<10000x128xf32, #tpu.memory_space<hbm>> -> memref<10000x128xf32, #tpu.memory_space<hbm>>
      tpu.wait_indirect_dma semaphore(%arg14 : memref<!tpu.dma_semaphore, #tpu.memory_space<semaphore_mem>>) src(%dma_wait3A_60 : memref<10000x128xf32, #tpu.memory_space<hbm>>) dst(%arg11 : memref<80x128xf32, #tpu.memory_space<vmem>>)
      "tpu.region"() ({
        %run_scoped3A = tpu.sem_alloc : memref<!tpu.dma_semaphore, #tpu.memory_space<semaphore_mem>>
        %dma_start3A_61 = arith.constant 0 : i32
        %dma_start3A_62 = tpu.memref_slice %arg10[%scan3A_50, %dma_start3A_61] : memref<125x80xi32, #tpu.memory_space<vmem>> -> memref<1x80xi32, #tpu.memory_space<vmem>>
        %dma_start3A_63 = tpu.memref_squeeze %dma_start3A_62 : memref<1x80xi32, #tpu.memory_space<vmem>> -> memref<80xi32, #tpu.memory_space<vmem>>
        %dma_start3A_64 = arith.constant 0 : i32
        %dma_start3A_65 = arith.constant 0 : i32
        %dma_start3A_66 = tpu.memref_slice %arg7[%dma_start3A_64, %dma_start3A_65] : memref<10000x128xf32, #tpu.memory_space<vmem_shared>> -> memref<10000x128xf32, #tpu.memory_space<vmem_shared>>
        tpu.enqueue_indirect_dma source(%arg11 : memref<80x128xf32, #tpu.memory_space<vmem>>) target(%dma_start3A_66 : memref<10000x128xf32, #tpu.memory_space<vmem_shared>>) offsets(%dma_start3A_63 : memref<80xi32, #tpu.memory_space<vmem>>) semaphore(%run_scoped3A : memref<!tpu.dma_semaphore, #tpu.memory_space<semaphore_mem>>) {add = true}
        %dma_wait3A_67 = arith.constant 0 : i32
        %dma_wait3A_68 = tpu.memref_slice %arg10[%scan3A_50, %dma_wait3A_67] : memref<125x80xi32, #tpu.memory_space<vmem>> -> memref<1x80xi32, #tpu.memory_space<vmem>>
        %dma_wait3A_69 = tpu.memref_squeeze %dma_wait3A_68 : memref<1x80xi32, #tpu.memory_space<vmem>> -> memref<80xi32, #tpu.memory_space<vmem>>
        %dma_wait3A_70 = arith.constant 0 : i32
        %dma_wait3A_71 = arith.constant 0 : i32
        %dma_wait3A_72 = tpu.memref_slice %arg7[%dma_wait3A_70, %dma_wait3A_71] : memref<10000x128xf32, #tpu.memory_space<vmem_shared>> -> memref<10000x128xf32, #tpu.memory_space<vmem_shared>>
        tpu.wait_indirect_dma semaphore(%run_scoped3A : memref<!tpu.dma_semaphore, #tpu.memory_space<semaphore_mem>>) src(%arg11 : memref<80x128xf32, #tpu.memory_space<vmem>>) dst(%dma_wait3A_72 : memref<10000x128xf32, #tpu.memory_space<vmem_shared>>)
        tpu.yield
      }) : () -> ()
      "tpu.region"() ({
        %run_scoped3A = tpu.sem_alloc : memref<!tpu.dma_semaphore, #tpu.memory_space<semaphore_mem>>
        %dma_start3A_61 = arith.constant 0 : i32
        %dma_start3A_62 = tpu.memref_slice %arg10[%scan3A_50, %dma_start3A_61] : memref<125x80xi32, #tpu.memory_space<vmem>> -> memref<1x80xi32, #tpu.memory_space<vmem>>
        %dma_start3A_63 = tpu.memref_squeeze %dma_start3A_62 : memref<1x80xi32, #tpu.memory_space<vmem>> -> memref<80xi32, #tpu.memory_space<vmem>>
        %dma_start3A_64 = arith.constant 0 : i32
        %dma_start3A_65 = arith.constant 0 : i32
        %dma_start3A_66 = tpu.memref_slice %arg8[%dma_start3A_64, %dma_start3A_65] : memref<10000x16xf32, #tpu.memory_space<vmem_shared>> -> memref<10000x16xf32, #tpu.memory_space<vmem_shared>>
        tpu.enqueue_indirect_dma source(%arg12 : memref<80x16xf32, #tpu.memory_space<vmem>>) target(%dma_start3A_66 : memref<10000x16xf32, #tpu.memory_space<vmem_shared>>) offsets(%dma_start3A_63 : memref<80xi32, #tpu.memory_space<vmem>>) semaphore(%run_scoped3A : memref<!tpu.dma_semaphore, #tpu.memory_space<semaphore_mem>>) {add = true}
        %dma_wait3A_67 = arith.constant 0 : i32
        %dma_wait3A_68 = tpu.memref_slice %arg10[%scan3A_50, %dma_wait3A_67] : memref<125x80xi32, #tpu.memory_space<vmem>> -> memref<1x80xi32, #tpu.memory_space<vmem>>
        %dma_wait3A_69 = tpu.memref_squeeze %dma_wait3A_68 : memref<1x80xi32, #tpu.memory_space<vmem>> -> memref<80xi32, #tpu.memory_space<vmem>>
        %dma_wait3A_70 = arith.constant 0 : i32
        %dma_wait3A_71 = arith.constant 0 : i32
        %dma_wait3A_72 = tpu.memref_slice %arg8[%dma_wait3A_70, %dma_wait3A_71] : memref<10000x16xf32, #tpu.memory_space<vmem_shared>> -> memref<10000x16xf32, #tpu.memory_space<vmem_shared>>
        tpu.wait_indirect_dma semaphore(%run_scoped3A : memref<!tpu.dma_semaphore, #tpu.memory_space<semaphore_mem>>) src(%arg12 : memref<80x16xf32, #tpu.memory_space<vmem>>) dst(%dma_wait3A_72 : memref<10000x16xf32, #tpu.memory_space<vmem_shared>>)
        tpu.yield
      }) : () -> ()
    }
    %scan3A_48 = arith.constant 125 : i32
    %barrier3A_49 = arith.constant 0 : index
    tpu.barrier barrier_id(%barrier3A_49)
    "tpu.region"() ({
      %run_scoped3A = tpu.sem_alloc : memref<!tpu.dma_semaphore, #tpu.memory_space<semaphore_mem>>
      %dma_start3A = arith.constant 0 : i32
      %dma_start3A_50 = tpu.memref_slice %arg5[%arg0, %mul3A_8, %dma_start3A] : memref<2x10000x128xf32, #tpu.memory_space<hbm>> -> memref<1x625x128xf32, #tpu.memory_space<hbm>>
      %dma_start3A_51 = tpu.memref_squeeze %dma_start3A_50 : memref<1x625x128xf32, #tpu.memory_space<hbm>> -> memref<625x128xf32, #tpu.memory_space<hbm>>
      %dma_start3A_52 = arith.constant 0 : i32
      %dma_start3A_53 = tpu.memref_slice %arg7[%mul3A_8, %dma_start3A_52] : memref<10000x128xf32, #tpu.memory_space<vmem_shared>> -> memref<625x128xf32, #tpu.memory_space<vmem_shared>>
      tpu.enqueue_dma source(%dma_start3A_53 : memref<625x128xf32, #tpu.memory_space<vmem_shared>>) target(%dma_start3A_51 : memref<625x128xf32, #tpu.memory_space<hbm>>) target_semaphore(%run_scoped3A : memref<!tpu.dma_semaphore, #tpu.memory_space<semaphore_mem>>)
      %dma_wait3A = arith.constant 0 : i32
      %dma_wait3A_54 = tpu.memref_slice %arg5[%arg0, %mul3A_8, %dma_wait3A] : memref<2x10000x128xf32, #tpu.memory_space<hbm>> -> memref<1x625x128xf32, #tpu.memory_space<hbm>>
      %dma_wait3A_55 = tpu.memref_squeeze %dma_wait3A_54 : memref<1x625x128xf32, #tpu.memory_space<hbm>> -> memref<625x128xf32, #tpu.memory_space<hbm>>
      %dma_wait3A_56 = arith.constant 0 : i32
      %dma_wait3A_57 = tpu.memref_slice %arg7[%mul3A_8, %dma_wait3A_56] : memref<10000x128xf32, #tpu.memory_space<vmem_shared>> -> memref<625x128xf32, #tpu.memory_space<vmem_shared>>
      tpu.wait_dma2 semaphore(%run_scoped3A : memref<!tpu.dma_semaphore, #tpu.memory_space<semaphore_mem>>) src(%dma_wait3A_57 : memref<625x128xf32, #tpu.memory_space<vmem_shared>>) dst(%dma_wait3A_55 : memref<625x128xf32, #tpu.memory_space<hbm>>)
      tpu.yield
    }) : () -> ()
    "tpu.region"() ({
      %run_scoped3A = tpu.sem_alloc : memref<!tpu.dma_semaphore, #tpu.memory_space<semaphore_mem>>
      %dma_start3A = arith.constant 0 : i32
      %dma_start3A_50 = tpu.memref_slice %arg6[%arg0, %mul3A_8, %dma_start3A] : memref<2x10000x16xf32, #tpu.memory_space<hbm>> -> memref<1x625x16xf32, #tpu.memory_space<hbm>>
      %dma_start3A_51 = tpu.memref_squeeze %dma_start3A_50 : memref<1x625x16xf32, #tpu.memory_space<hbm>> -> memref<625x16xf32, #tpu.memory_space<hbm>>
      %dma_start3A_52 = arith.constant 0 : i32
      %dma_start3A_53 = tpu.memref_slice %arg8[%mul3A_8, %dma_start3A_52] : memref<10000x16xf32, #tpu.memory_space<vmem_shared>> -> memref<625x16xf32, #tpu.memory_space<vmem_shared>>
      tpu.enqueue_dma source(%dma_start3A_53 : memref<625x16xf32, #tpu.memory_space<vmem_shared>>) target(%dma_start3A_51 : memref<625x16xf32, #tpu.memory_space<hbm>>) target_semaphore(%run_scoped3A : memref<!tpu.dma_semaphore, #tpu.memory_space<semaphore_mem>>)
      %dma_wait3A = arith.constant 0 : i32
      %dma_wait3A_54 = tpu.memref_slice %arg6[%arg0, %mul3A_8, %dma_wait3A] : memref<2x10000x16xf32, #tpu.memory_space<hbm>> -> memref<1x625x16xf32, #tpu.memory_space<hbm>>
      %dma_wait3A_55 = tpu.memref_squeeze %dma_wait3A_54 : memref<1x625x16xf32, #tpu.memory_space<hbm>> -> memref<625x16xf32, #tpu.memory_space<hbm>>
      %dma_wait3A_56 = arith.constant 0 : i32
      %dma_wait3A_57 = tpu.memref_slice %arg8[%mul3A_8, %dma_wait3A_56] : memref<10000x16xf32, #tpu.memory_space<vmem_shared>> -> memref<625x16xf32, #tpu.memory_space<vmem_shared>>
      tpu.wait_dma2 semaphore(%run_scoped3A : memref<!tpu.dma_semaphore, #tpu.memory_space<semaphore_mem>>) src(%dma_wait3A_57 : memref<625x16xf32, #tpu.memory_space<vmem_shared>>) dst(%dma_wait3A_55 : memref<625x16xf32, #tpu.memory_space<hbm>>)
      tpu.yield
    }) : () -> ()
    return
  }
}

module attributes {stable_mosaic.version = 14 : i64} {
  func.func @_tc_decode_body(%arg0: i32, %arg1: memref<1000x128xf32, #tpu.memory_space<vmem>>, %arg2: memref<1000x128xf32, #tpu.memory_space<vmem>>, %arg3: memref<1000x128xf32, #tpu.memory_space<vmem>>, %arg4: memref<1000x1xf32, #tpu.memory_space<vmem>>, %arg5: memref<1000x1xf32, #tpu.memory_space<vmem>>, %arg6: memref<128x128xf32, #tpu.memory_space<vmem>>, %arg7: memref<128x128xf32, #tpu.memory_space<vmem>>, %arg8: memref<1x128xf32, #tpu.memory_space<vmem>>, %arg9: memref<128x128xf32, #tpu.memory_space<vmem>>, %arg10: memref<1x128xf32, #tpu.memory_space<vmem>>, %arg11: memref<1000x128xf32, #tpu.memory_space<vmem>>, %arg12: memref<1000x128xf32, #tpu.memory_space<vmem>>) attributes {dimension_semantics = [#tpu.dimension_semantics<arbitrary>], iteration_bounds = array<i64: 10>, scalar_prefetch = 0 : i64, scratch_operands = 0 : i64, tpu.core_type = #tpu.core_type<tc>, window_params = [{transform_indices = @transform_0, window_bounds = array<i64: 1000, 128>}, {transform_indices = @transform_1, window_bounds = array<i64: 1000, 128>}, {transform_indices = @transform_2, window_bounds = array<i64: 1000, 128>}, {transform_indices = @transform_3, window_bounds = array<i64: 1000, 1>}, {transform_indices = @transform_4, window_bounds = array<i64: 1000, 1>}, {pipeline_mode = #tpu.pipeline_mode<synchronous>, transform_indices = @transform_5, window_bounds = array<i64: 128, 128>}, {pipeline_mode = #tpu.pipeline_mode<synchronous>, transform_indices = @transform_6, window_bounds = array<i64: 128, 128>}, {pipeline_mode = #tpu.pipeline_mode<synchronous>, transform_indices = @transform_7, window_bounds = array<i64: 1, 128>}, {pipeline_mode = #tpu.pipeline_mode<synchronous>, transform_indices = @transform_8, window_bounds = array<i64: 128, 128>}, {pipeline_mode = #tpu.pipeline_mode<synchronous>, transform_indices = @transform_9, window_bounds = array<i64: 1, 128>}, {transform_indices = @transform_10, window_bounds = array<i64: 1000, 128>}, {transform_indices = @transform_11, window_bounds = array<i64: 1000, 128>}]} {
    %get3A = arith.constant 0 : index
    %get3A_0 = arith.constant 0 : index
    %get3A_1 = vector.load %arg2[%get3A, %get3A_0] : memref<1000x128xf32, #tpu.memory_space<vmem>>, vector<1000x128xf32>
    %get3A_2 = arith.constant 0 : index
    %get3A_3 = arith.constant 0 : index
    %get3A_4 = vector.load %arg3[%get3A_2, %get3A_3] : memref<1000x128xf32, #tpu.memory_space<vmem>>, vector<1000x128xf32>
    %add3A = arith.addf %get3A_1, %get3A_4 : vector<1000x128xf32>
    %get3A_5 = arith.constant 0 : index
    %get3A_6 = arith.constant 0 : index
    %get3A_7 = vector.load %arg4[%get3A_5, %get3A_6] : memref<1000x1xf32, #tpu.memory_space<vmem>>, vector<1000x1xf32>
    %get3A_8 = arith.constant 0 : index
    %get3A_9 = arith.constant 0 : index
    %get3A_10 = vector.load %arg5[%get3A_8, %get3A_9] : memref<1000x1xf32, #tpu.memory_space<vmem>>, vector<1000x1xf32>
    %add3A_11 = arith.addf %get3A_7, %get3A_10 : vector<1000x1xf32>
    %max3A = arith.constant 1.000000e+00 : f32
    %max3A_12 = vector.broadcast %max3A : f32 to vector<1000x1xf32>
    %max3A_13 = arith.maximumf %add3A_11, %max3A_12 : vector<1000x1xf32>
    %div3A = vector.broadcast %max3A_13 : vector<1000x1xf32> to vector<1000x128xf32>
    %div3A_14 = arith.divf %add3A, %div3A : vector<1000x128xf32>
    %get3A_15 = arith.constant 0 : index
    %get3A_16 = arith.constant 0 : index
    %get3A_17 = vector.load %arg1[%get3A_15, %get3A_16] : memref<1000x128xf32, #tpu.memory_space<vmem>>, vector<1000x128xf32>
    %get3A_18 = arith.constant 0 : index
    %get3A_19 = arith.constant 0 : index
    %get3A_20 = vector.load %arg6[%get3A_18, %get3A_19] : memref<128x128xf32, #tpu.memory_space<vmem>>, vector<128x128xf32>
    %dot_general3A = arith.constant dense<0.000000e+00> : vector<1000x128xf32>
    %dot_general3A_21 = tpu.matmul %get3A_17, %get3A_20, %dot_general3A {dimension_numbers = #tpu.dot_dimension_numbers<[1], [0], [0], [1], [0, 0, 1, 1], [], []>, transpose_lhs_hint = false} : vector<1000x128xf32>, vector<128x128xf32>, vector<1000x128xf32> -> vector<1000x128xf32>
    %get3A_22 = arith.constant 0 : index
    %get3A_23 = arith.constant 0 : index
    %get3A_24 = vector.load %arg7[%get3A_22, %get3A_23] : memref<128x128xf32, #tpu.memory_space<vmem>>, vector<128x128xf32>
    %dot_general3A_25 = arith.constant dense<0.000000e+00> : vector<1000x128xf32>
    %dot_general3A_26 = tpu.matmul %div3A_14, %get3A_24, %dot_general3A_25 {dimension_numbers = #tpu.dot_dimension_numbers<[1], [0], [0], [1], [0, 0, 1, 1], [], []>, transpose_lhs_hint = false} : vector<1000x128xf32>, vector<128x128xf32>, vector<1000x128xf32> -> vector<1000x128xf32>
    %add3A_27 = arith.addf %dot_general3A_21, %dot_general3A_26 : vector<1000x128xf32>
    %get3A_28 = arith.constant 0 : index
    %get3A_29 = arith.constant 0 : index
    %get3A_30 = vector.load %arg8[%get3A_28, %get3A_29] : memref<1x128xf32, #tpu.memory_space<vmem>>, vector<1x128xf32>
    %add3A_31 = vector.broadcast %get3A_30 : vector<1x128xf32> to vector<1000x128xf32>
    %add3A_32 = arith.addf %add3A_27, %add3A_31 : vector<1000x128xf32>
    %max3A_33 = arith.constant 0.000000e+00 : f32
    %max3A_34 = vector.broadcast %max3A_33 : f32 to vector<1000x128xf32>
    %max3A_35 = arith.maximumf %add3A_32, %max3A_34 : vector<1000x128xf32>
    %swap3A = arith.constant 0 : index
    %swap3A_36 = arith.constant 0 : index
    %swap3A_37 = vector.load %arg12[%swap3A, %swap3A_36] : memref<1000x128xf32, #tpu.memory_space<vmem>>, vector<1000x128xf32>
    tpu.vector_store %arg12[%swap3A, %swap3A_36], %max3A_35 {strides = array<i32>} : memref<1000x128xf32, #tpu.memory_space<vmem>>, vector<1000x128xf32>,
    %get3A_38 = arith.constant 0 : index
    %get3A_39 = arith.constant 0 : index
    %get3A_40 = vector.load %arg9[%get3A_38, %get3A_39] : memref<128x128xf32, #tpu.memory_space<vmem>>, vector<128x128xf32>
    %dot_general3A_41 = arith.constant dense<0.000000e+00> : vector<1000x128xf32>
    %dot_general3A_42 = tpu.matmul %max3A_35, %get3A_40, %dot_general3A_41 {dimension_numbers = #tpu.dot_dimension_numbers<[1], [0], [0], [1], [0, 0, 1, 1], [], []>, transpose_lhs_hint = false} : vector<1000x128xf32>, vector<128x128xf32>, vector<1000x128xf32> -> vector<1000x128xf32>
    %get3A_43 = arith.constant 0 : index
    %get3A_44 = arith.constant 0 : index
    %get3A_45 = vector.load %arg10[%get3A_43, %get3A_44] : memref<1x128xf32, #tpu.memory_space<vmem>>, vector<1x128xf32>
    %add3A_46 = vector.broadcast %get3A_45 : vector<1x128xf32> to vector<1000x128xf32>
    %add3A_47 = arith.addf %dot_general3A_42, %add3A_46 : vector<1000x128xf32>
    %swap3A_48 = arith.constant 0 : index
    %swap3A_49 = arith.constant 0 : index
    %swap3A_50 = vector.load %arg11[%swap3A_48, %swap3A_49] : memref<1000x128xf32, #tpu.memory_space<vmem>>, vector<1000x128xf32>
    tpu.vector_store %arg11[%swap3A_48, %swap3A_49], %add3A_47 {strides = array<i32>} : memref<1000x128xf32, #tpu.memory_space<vmem>>, vector<1000x128xf32>,
    return
  }
  func.func @transform_0(%arg0: i32) -> (i32, i32) {
    %c0_i32 = arith.constant 0 : i32
    %c0_i32_0 = arith.constant 0 : i32
    return %arg0, %c0_i32 : i32, i32
  }
  func.func @transform_1(%arg0: i32) -> (i32, i32) {
    %c0_i32 = arith.constant 0 : i32
    %c0_i32_0 = arith.constant 0 : i32
    return %arg0, %c0_i32 : i32, i32
  }
  func.func @transform_2(%arg0: i32) -> (i32, i32) {
    %c0_i32 = arith.constant 0 : i32
    %c0_i32_0 = arith.constant 0 : i32
    return %arg0, %c0_i32 : i32, i32
  }
  func.func @transform_3(%arg0: i32) -> (i32, i32) {
    %c0_i32 = arith.constant 0 : i32
    %c0_i32_0 = arith.constant 0 : i32
    return %arg0, %c0_i32 : i32, i32
  }
  func.func @transform_4(%arg0: i32) -> (i32, i32) {
    %c0_i32 = arith.constant 0 : i32
    %c0_i32_0 = arith.constant 0 : i32
    return %arg0, %c0_i32 : i32, i32
  }
  func.func @transform_5(%arg0: i32) -> (i32, i32) {
    %c0_i32 = arith.constant 0 : i32
    %c0_i32_0 = arith.constant 0 : i32
    %c0_i32_1 = arith.constant 0 : i32
    return %c0_i32, %c0_i32_0 : i32, i32
  }
  func.func @transform_6(%arg0: i32) -> (i32, i32) {
    %c0_i32 = arith.constant 0 : i32
    %c0_i32_0 = arith.constant 0 : i32
    %c0_i32_1 = arith.constant 0 : i32
    return %c0_i32, %c0_i32_0 : i32, i32
  }
  func.func @transform_7(%arg0: i32) -> (i32, i32) {
    %c0_i32 = arith.constant 0 : i32
    %c0_i32_0 = arith.constant 0 : i32
    %c0_i32_1 = arith.constant 0 : i32
    return %c0_i32, %c0_i32_0 : i32, i32
  }
  func.func @transform_8(%arg0: i32) -> (i32, i32) {
    %c0_i32 = arith.constant 0 : i32
    %c0_i32_0 = arith.constant 0 : i32
    %c0_i32_1 = arith.constant 0 : i32
    return %c0_i32, %c0_i32_0 : i32, i32
  }
  func.func @transform_9(%arg0: i32) -> (i32, i32) {
    %c0_i32 = arith.constant 0 : i32
    %c0_i32_0 = arith.constant 0 : i32
    %c0_i32_1 = arith.constant 0 : i32
    return %c0_i32, %c0_i32_0 : i32, i32
  }
  func.func @transform_10(%arg0: i32) -> (i32, i32) {
    %c0_i32 = arith.constant 0 : i32
    %c0_i32_0 = arith.constant 0 : i32
    return %arg0, %c0_i32 : i32, i32
  }
  func.func @transform_11(%arg0: i32) -> (i32, i32) {
    %c0_i32 = arith.constant 0 : i32
    %c0_i32_0 = arith.constant 0 : i32
    return %arg0, %c0_i32 : i32, i32
  }
}

</mosaic_0001>

<sc_bundles>
// kernel: kernel.4.cloned.1.call-start
scs
__scs_entry_jumppad:
0x0: {  	(pc) =	sbr.rel $0x88, $3  }
0x1: {  	(tag) =	ssettag $0x0;
	lr =	simm.s32 $0x1  }
0x2: {  	[smem:$0x3F9A] =	sst lr;
	_ =	strace $0xD0000000  }
0x3: {  	_ = 	snop  }
0x4: {  	_ = 	snop  }
0x5: {  	_ = 	snop  }
0x6: {  	_ = 	snop  }
0x7: {  	_ = 	snop  }
__scs_overlays_trampoline_lowered:
0x8: {  	[smem:$0x3FA9] =	sst s0  }
0x9: {  	[smem:$0x3FAA] =	sst s1  }
0xa: {  	[smem:$0x3FAB] =	sst s2  }
0xb: {  	[smem:$0x3FAC] =	sst s3  }
0xc: {  	[smem:$0x3FAD] =	sst s4  }
0xd: {  	[smem:$0x3FAE] =	sst s5  }
0xe: {  	[smem:$0x3FAF] =	sst s6  }
0xf: {  	[smem:$0x3FB0] =	sst s7  }
0x10: {  	[smem:$0x3FB1] =	sst s8  }
0x11: {  	[smem:$0x3FB2] =	sst s9;
	s0 =	simm.s32 @!p0 $0x0  }
0x12: {  	s1 =	sld [smem:$0x3F98];
	s0 =	simm.s32 @p0 $0x1  }
0x13: {  	[smem:$0x3FB3] =	sst s0;
	s0 =	simm.s32 @!p1 $0x0  }
0x14: {  	s2 =	sld [smem:$0x3F97];
	s0 =	simm.s32 @p1 $0x1  }
0x15: {  	[smem:$0x3FB4] =	sst s0;
	s0 =	simm.s32 @!p2 $0x0  }
0x16: {  	s3 =	sld [smem:$0x3FDB];
	s0 =	simm.s32 @p2 $0x1  }
0x17: {  	s4 =	simm.s32 $0x1BF5;
	[smem:$0x3FB6] =	sst s0  }
0x18: {  	s0 =	sld [smem:$0x3F99];
	_ =	swait.ge [sflag:s4], $0x0  }
0x19: {  	s7 =	sld [smem:$0x3F9A]  }
0x1a: {  	s8 =	sadd.s32 $0xFFFFE003, lr  }
0x1b: {  	s9 =	sadd.s32 $0xFFFFFEF7, lr;
	s5 =	simm.s32 $0xFFFFFFFF;
	p2 =	slt.u32 s8, $0xFFFFF086  }
0x1c: {  	p1 =	slt.u32 s9, $0xF7A;
	s5 =	simm.s32 @!p2 $0x0  }
0x1d: {  	s5 =	simm.s32 @p1 $0x1;
	p0 =	seq.s32 s7, s2  }
0x1e: {  	s7 =	smul.u32 @!p0 $0xF7A, s2;
	p2 =	seq.s32 @!p0 s5, $0x0  }
0x1f: {  	s9 =	smul.u32 $0xF7A, s1;
	s8 =	simm.s32 @!p0 $0x1BF5;
	p2 =	por !p2, p0  }
0x20: {  	[sflag:s8] =	ssyncset.s32 @!p0 $0xFFFFF086;
	s6 =	sadd.s32 @!p0 s3, s7;
	s7 =	simm.s32 @!p0 $0x108  }
0x21: {  	s3 =	sadd.s32 s3, s9;
	s6 =	sadd.s32 @!p0 $0x88, s6;
	s7 =	simm.s32 @p2 $0x1082  }
0x22: {  	[simem:s7], [sflag:s8] =	dma.local @!p0 [hbm:s6], $0xF7A  }
0x23: {  	s9 =	sor.u32 $0xD0000000, s2;
	s6 =	simm.s32 $0x108;
	_ =	swait.ge @!p0 [sflag:s8], $0x0  }
0x24: {  	s3 =	sadd.s32 $0x88, s3;
	s6 =	simm.s32 @!p1 $0x1082;
	[sflag:s4] =	ssyncset.s32 $0xFFFFF086  }
0x25: {  	[simem:s6], [sflag:s4] =	dma.local [hbm:s3], $0xF7A  }
0x26: {  	[smem:$0x3F9A] =	sst s1;
	(tag) =	ssettag s2;
	_ =	strace s9  }
0x27: {  	s1 =	sld [smem:$0x3FAA]  }
0x28: {  	s2 =	sld [smem:$0x3FAB]  }
0x29: {  	s4 =	sld [smem:$0x3FAD]  }
0x2a: {  	p0 =	seq.s32 s5, $0x0;
	s5 =	sld [smem:$0x3FAE]  }
0x2b: {  	s6 =	sld [smem:$0x3FAF]  }
0x2c: {  	s7 =	sld [smem:$0x3FB0]  }
0x2d: {  	s3 =	simm.s32 $0x108;
	s8 =	sld [smem:$0x3FB1]  }
0x2e: {  	s3 =	simm.s32 @!p0 $0x1082;
	s9 =	sld [smem:$0x3FB2]  }
0x2f: {  	lr =	sadd.s32 s0, s3;
	s0 =	sld [smem:$0x3FA9]  }
0x30: {  	s3 =	sld [smem:$0x3FAC]  }
0x31: {  	[smem:$0x3FB5] =	sst s10  }
0x32: {  	s10 =	sld [smem:$0x3FB3];
	_ =	sdelay $0x3  }
0x33: {  	p0 =	seq.s32 s10, $0x1;
	s10 =	sld [smem:$0x3FB5];
	_ =	sdelay $0x3  }
0x34: {  	[smem:$0x3FB5] =	sst s10  }
0x35: {  	s10 =	sld [smem:$0x3FB4];
	_ =	sdelay $0x3  }
0x36: {  	p1 =	seq.s32 s10, $0x1;
	s10 =	sld [smem:$0x3FB5];
	_ =	sdelay $0x3  }
0x37: {  	[smem:$0x3FB5] =	sst s10  }
0x38: {  	s10 =	sld [smem:$0x3FB6]  }
0x39: {  	_ = 	snop;
	(pc) =	sbr.ind lr, $3  }
0x3a: {  	_ = 	snop  }
0x3b: {  	_ = 	snop  }
0x3c: {  	p2 =	seq.s32 s10, $0x1;
	s10 =	sld [smem:$0x3FB5]  }
0x3d: {  	_ =	shalt  }
0x3e: {  	_ =	shalt  }
0x3f: {  	_ =	shalt  }
0x40: {  	_ =	shalt  }
0x41: {  	_ =	shalt  }
0x42: {  	_ =	shalt  }
0x43: {  	_ =	shalt  }
0x44: {  	_ =	shalt  }
0x45: {  	_ =	shalt  }
0x46: {  	_ =	shalt  }
0x47: {  	_ =	shalt  }
0x48: {  	_ =	shalt  }
0x49: {  	_ =	shalt  }
0x4a: {  	_ =	shalt  }
0x4b: {  	_ =	shalt  }
0x4c: {  	_ =	shalt  }
0x4d: {  	_ =	shalt  }
0x4e: {  	_ =	shalt  }
0x4f: {  	_ =	shalt  }
0x50: {  	_ =	shalt  }
0x51: {  	_ =	shalt  }
0x52: {  	_ =	shalt  }
0x53: {  	_ =	shalt  }
0x54: {  	_ =	shalt  }
0x55: {  	_ =	shalt  }
0x56: {  	_ =	shalt  }
0x57: {  	_ =	shalt  }
0x58: {  	_ =	shalt  }
0x59: {  	_ =	shalt  }
0x5a: {  	_ =	shalt  }
0x5b: {  	_ =	shalt  }
0x5c: {  	_ =	shalt  }
0x5d: {  	_ =	shalt  }
0x5e: {  	_ =	shalt  }
0x5f: {  	_ =	shalt  }
0x60: {  	_ =	shalt  }
0x61: {  	_ =	shalt  }
0x62: {  	_ =	shalt  }
0x63: {  	_ =	shalt  }
0x64: {  	_ =	shalt  }
0x65: {  	_ =	shalt  }
0x66: {  	_ =	shalt  }
0x67: {  	_ =	shalt  }
0x68: {  	_ =	shalt  }
0x69: {  	_ =	shalt  }
0x6a: {  	_ =	shalt  }
0x6b: {  	_ =	shalt  }
0x6c: {  	_ =	shalt  }
0x6d: {  	_ =	shalt  }
0x6e: {  	_ =	shalt  }
0x6f: {  	_ =	shalt  }
0x70: {  	_ =	shalt  }
0x71: {  	_ =	shalt  }
0x72: {  	_ =	shalt  }
0x73: {  	_ =	shalt  }
0x74: {  	_ =	shalt  }
0x75: {  	_ =	shalt  }
0x76: {  	_ =	shalt  }
0x77: {  	_ =	shalt  }
0x78: {  	_ =	shalt  }
0x79: {  	_ =	shalt  }
0x7a: {  	_ =	shalt  }
0x7b: {  	_ =	shalt  }
0x7c: {  	_ =	shalt  }
0x7d: {  	_ =	shalt  }
0x7e: {  	_ =	shalt  }
0x7f: {  	_ =	shalt  }
0x80: {  	_ =	shalt  }
0x81: {  	_ =	shalt  }
0x82: {  	_ =	shalt  }
0x83: {  	_ =	shalt  }
0x84: {  	_ =	shalt  }
0x85: {  	_ =	shalt  }
0x86: {  	_ =	shalt  }
0x87: {  	_ =	shalt  }
.Lfunc_end0:
.L_simem_size_0:
called_computation_lowered:
.L_overlay_start_0:
0x88: {  	s2 =	sld [smem:$0x3FD9]  }
0x89: {  	s3 =	sld [smem:$0x3FFE];
	_ =	sdelay $0x1  }
0x8a: {  	s1 =	srdreg.scid  }
0x8b: {  	s0 =	sand.u32 $0x1, s1  }
0x8c: {  	s14 =	sshll.u32 s0, $0xA;
	s2 =	sadd.s32 s3, s2  }
0x8d: {  	s2 =	sadd.s32 s2, s14  }
0x8e: {  	[smem:$0x3FC1] =	sst s2  }
0x8f: {  	_ = 	snop  }
0x90: {  	s2 =	sld [smem:$0x3FD0];
	_ =	sdelay $0x2  }
0x91: {  	s4 =	simm.s32 $0xA;
	s5 =	simm.s32 $0x10;
	s15 =	sld [smem:$0x3FC9]  }
0x92: {  	[smem:s5], [sflag:s4] =	dma.local [hbm:s2], $0x1  }
0x93: {  	_ =	swait.eq [sflag:s4], $0x1  }
0x94: {  	[sflag:s4] =	ssyncset.done $0x0  }
0x95: {  	s16 =	sld [smem:$0x10];
	[sflag:s4] =	ssyncadd.s32 $0xFFFFFFFF  }
0x96: {  	s17 =	sld [smem:$0x11];
	(tm) =	ssettm $0x1  }
0x97: {  	s18 =	sld [smem:$0x3FFB];
	_ =	sdelay $0x3  }
0x98: {  	_ =	strace s18  }
0x99: {  	s5 =	sld [smem:$0x3FFC];
	_ =	sdelay $0x3  }
0x9a: {  	_ =	strace s5  }
0x9b: {  	s5 =	sld [smem:$0x3FFD];
	_ =	sdelay $0x3  }
0x9c: {  	_ =	strace s5  }
0x9d: {  	_ =	strace $0x8FFFFFFF  }
0x9e: {  	s19 =	sld [smem:$0x3FDB];
	_ =	sdelay $0x1  }
0x9f: {  	s6 =	simm.s32 $_scs_section_size  }
0xa0: {  	s7 =	simm.s32 $_size__tile_overlayer_lowered;
	s8 =	simm.s32 $_tile_overlayer_lowered  }
0xa1: {  	s22 =	simm.s32 $0x1BFF;
	s21 =	sshll.u32 s8, $0x1;
	s5 =	sadd.s32 s6, s19  }
0xa2: {  	s9 =	simm.s32 $0x0;
	s20 =	sshll.u32 s7, $0x1;
	s7 =	sadd.s32 s21, s5  }
0xa3: {  	[timem:s9], [sflag:s22] =	dma.local [hbm:s7], s20  }
0xa4: {  	_ =	swait.ge [sflag:s22], s20  }
0xa5: {  	s6 =	ssub.s32 $0x0, s20;
	[sflag:s22] =	ssyncset.done $0x0  }
0xa6: {  	[sflag:s22] =	ssyncadd.s32 s6;
	_ =	sdelay $0x1  }
0xa7: {  	s23 =	simm.s32 $0x1B8B  }
0xa8: {  	_ =	swait.ge [sflag:s23], $0x1  }
0xa9: {  	[sflag:s23] =	ssyncset.done $0x0  }
0xaa: {  	s25 =	simm.s32 $0x1B8E;
	s24 =	sld [smem:$0x3FFE];
	[sflag:s23] =	ssyncadd.s32 $0xFFFFFFFF  }
0xab: {  	s26 =	simm.s32 $execute0_lowered;
	[smem:$0x3FD2] =	sst s25  }
0xac: {  	s7 =	sshll.u32 s26, $0x1;
	_ =	strace $0x80000046;
	[dreg:$0x1] =	wrdreg $0xFFFFFFFF  }
0xad: {  	s28 =	simm.s32 $_size_execute0_lowered;
	s5 =	sadd.s32 s5, s7;
	[dreg:$0x0] =	wrdreg $0x0  }
0xae: {  	s7 =	sshll.u32 s28, $0x1;
	[dreg:$0x2] =	wrdreg s5  }
0xaf: {  	[dreg:$0x3] =	wrdreg s7  }
0xb0: {  	[dreg:$0x4] =	wrdreg $0xC0  }
0xb1: {  	_ =	task [dreg:s9], $0x5FFFF  }
0xb2: {  	[dreg:$0x1] =	wrdreg $0xFFFFFFFF  }
0xb3: {  	[dreg:$0x0] =	wrdreg $0x60  }
0xb4: {  	[dreg:$0x2] =	wrdreg s15  }
0xb5: {  	[dreg:$0x3] =	wrdreg s16  }
0xb6: {  	[dreg:$0x4] =	wrdreg s17  }
0xb7: {  	[dreg:$0x5] =	wrdreg s24  }
0xb8: {  	[dreg:$0x6] =	wrdreg $0x0  }
0xb9: {  	[dreg:$0x7] =	wrdreg $0x138800  }
0xba: {  	[dreg:$0x8] =	wrdreg $0x9  }
0xbb: {  	_ =	task.clear_ibuf [dreg:s9], $0x9FFFF;
	_ =	strace $0x90000046  }
0xbc: {  	s29 =	simm.s32 $0x9;
	_ =	strace $0x80000048  }
0xbd: {  	_ =	swait.ge [sflag:s29], $0x1  }
0xbe: {  	[sflag:s29] =	ssyncadd.s32 $0xFFFFFFFF  }
0xbf: {  	_ =	strace $0x90000048  }
0xc0: {  	_ =	sfence  }
0xc1: {  	s30 =	sld [smem:$0x0];
	_ =	sdelay $0x2  }
0xc2: {  	s31 =	sshll.u32 s1, $0xD;
	s1 =	sshrl.u32 s1, $0x2  }
0xc3: {  	s3 =	sand.u32 $0x4000, s31;
	s1 =	sadd.s32 s1, s30  }
0xc4: {  	s0 =	sor.u32 s3, s0;
	s1 =	sshll.u32 s1, $0x11  }
0xc5: {  	s0 =	sor.u32 s1, s0  }
0xc6: {  	s0 =	sadd.s32 $0x8F2B, s0  }
0xc7: {  	[sflag:s0] =	ssyncadd.remote.s32 $0x1  }
0xc8: {  	_ =	sfence.sel $0xFFFF  }
0xc9: {  	[dreg:$0x0] =	wrdreg $0xFFFFFFFF;
	(pc) =	sbr.abs _section_cstart, $3  }
0xca: {  	[dreg:$0x1] =	wrdreg $0xFFFFFFFF  }
0xcb: {  	_ =	task.clear_ibuf [dreg:s9], $0x2FFFF;
	_ =	strace $0x9FFFFFFF  }
0xcc: {  	(tm) =	ssettm $0x7FFFFFFF  }
0xcd: {  	_ =	shalt  }
tec
execute0_lowered:
.L_overlay_start_1:
0x0: {  	(tag) =	ssettag $0x1  }
0x1: {  	s1 =	rddreg [dreg:$0x0]  }
0x2: {  	s0 =	rddreg [dreg:$0x1]  }
0x3: {  	s2 =	rddreg [dreg:$0x2]  }
0x4: {  	s3 =	srdreg.scid;
	s6 =	rddreg [dreg:$0x3]  }
0x5: {  	s16 =	stileid.u32;
	s4 =	rddreg [dreg:$0x5]  }
0x6: {  	s5 =	simm.s32 $0x0;
	s28 =	simm.s32 $0x1ADB0;
	s7 =	smul.u32 $0x13880, s16  }
0x7: {  	s29 =	simm.s32 $0x2;
	s30 =	simm.s32 $0x1DAB0;
	s10 =	smul.u32 $0x2710, s16  }
0x8: {  	s8 =	sand.u32 $0x1, s3;
	s3 =	rddreg [dreg:$0x4];
	s20 =	smul.u32 $0x271, s16  }
0x9: {  	s31 =	simm.s32 $0x1;
	[smem:$0x7FF] =	sst s5;
	s9 =	smul.u32 $0x138800, s8  }
0xa: {  	s11 =	smul.u32 $0x27100, s8;
	_ =	strace $0x80000047;
	s12 =	ssub.s32 $0x2, s8  }
0xb: {  	s8 =	sshll.u32 s8, $0x4;
	s15 =	sadd.s32 $0xA0, s20;
	s22 =	sadd.s32 $0x190, s20  }
0xc: {  	s8 =	sor.u32 s16, s8;
	s24 =	sadd.s32 $0x1E0, s20;
	s9 =	sadd.s32 s7, s9  }
0xd: {  	s11 =	sadd.s32 s10, s11;
	s17 =	sshll.u32 s15, $0x7;
	s23 =	sshll.u32 s22, $0x7  }
0xe: {  	s8 =	smul.u32 $0x4E2, s8;
	s9 =	sshrl.u32 s9, $0x3;
	s11 =	sshrl.u32 s11, $0x3  }
0xf: {  	s16 =	sadd.s32 s23, s3;
	s9 =	sadd.s32 s9, s6;
	s25 =	sadd.s32 s11, s6  }
0x10: {  	s11 =	sshrl.u32 s12, $0x1;
	s6 =	sadd.s32 s7, s3;
	s7 =	sadd.s32 s10, s4  }
0x11: {  	s26 =	ssub.s32 s12, s11;
	s12 =	sadd.s32 $0x50, s20;
	s25 =	sadd.s32 $0x4FA00, s25  }
0x12: {  	s13 =	sshll.u32 s12, $0x7;
	s11 =	sshll.u32 s12, $0x4;
	s12 =	sadd.s32 $0x230, s20  }
0x13: {  	s26 =	smax.u32 s26, $0x1;
	s10 =	sadd.s32 s13, s3;
	s14 =	sadd.s32 s11, s4  }
0x14: {  	s13 =	sadd.s32 $0xF0, s20;
	s11 =	sadd.s32 s17, s3;
	[dreg:$0x7] =	wrdreg s10  }
0x15: {  	s23 =	sshll.u32 s12, $0x7;
	[dreg:$0x8] =	wrdreg s14;
	s10 =	sshll.u32 s15, $0x4  }
0x16: {  	[dreg:$0x9] =	wrdreg s11;
	s18 =	sshll.u32 s13, $0x7;
	s19 =	sshll.u32 s13, $0x4  }
0x17: {  	s15 =	sadd.s32 $0x140, s20;
	s11 =	sshll.u32 s24, $0x7;
	s10 =	sadd.s32 s10, s4  }
0x18: {  	s13 =	sadd.s32 s19, s4;
	s21 =	sshll.u32 s15, $0x7;
	s15 =	sshll.u32 s15, $0x4  }
0x19: {  	s19 =	sadd.s32 s2, s8;
	s20 =	sadd.s32 s11, s3;
	s2 =	simm.s32 $0x1D5B0  }
0x1a: {  	[dreg:$0xa] =	wrdreg s10;
	s10 =	sadd.s32 s18, s3;
	s14 =	sadd.s32 s21, s3  }
0x1b: {  	s15 =	sadd.s32 s15, s4;
	s18 =	sadd.s32 s0, s8;
	s0 =	simm.s32 $0x50  }
0x1c: {  	[dreg:$0xb] =	wrdreg s10;
	s10 =	sshll.u32 s22, $0x4;
	s22 =	sshll.u32 s24, $0x4  }
0x1d: {  	s24 =	sshll.u32 s12, $0x4;
	s17 =	sadd.s32 s10, s4;
	s21 =	sadd.s32 s22, s4  }
0x1e: {  	v0 =	vimm.f32 $0.0e+00;
	v1 =	vimm.f32 $1.000000000e+00;
	s22 =	sadd.s32 s23, s3;
	s23 =	sadd.s32 s24, s4;
	s24 =	sadd.s32 $0x1800, s9  }
.LBB2_1:
0x1f: {  	s8 =	simm.s32 $0x1ADF0  }
0x20: {  	[tilespmem:s8+$0x20] =	vst v0  }
0x21: {  	[tilespmem:s8+$0x10] =	vst v0  }
0x22: {  	[tilespmem:s8+$0x0] =	vst v0  }
0x23: {  	[tilespmem:s8+$0xFFFFFFF0] =	vst v0  }
0x24: {  	[tilespmem:s8+$0xFFFFFFE0] =	vst v0  }
0x25: {  	[tilespmem:s8+$0xFFFFFFD0] =	vst v0  }
0x26: {  	[tilespmem:s8+$0xFFFFFFC0] =	vst v0  }
0x27: {  	s10 =	simm.s32 $0x0;
	s9 =	simm.s32 $0x40;
	[tilespmem:s8+$0x30] =	vst v0  }
.LBB2_2:
0x28: {  	p0 =	sne.s32 s9, $0x13C0;
	[tilespmem:s10+$0x1DAB0] =	vst v0  }
0x29: {  	s8 =	sadd.s32 $0x80, s8;
	[tilespmem:s10+$0x1D5B0] =	vst v1  }
0x2a: {  	[tilespmem:s8+$0x20] =	vst v0  }
0x2b: {  	[tilespmem:s8+$0x10] =	vst v0  }
0x2c: {  	[tilespmem:s8+$0x0] =	vst v0  }
.Ltmp0:
0x2d: {  	[tilespmem:s8+$0xFFFFFFF0] =	vst v0;
	(pc) =	sbr.rel @p0 .LBB2_2-.Ltmp0, $4  }
0x2e: {  	[tilespmem:s8+$0xFFFFFFE0] =	vst v0  }
0x2f: {  	[tilespmem:s8+$0xFFFFFFD0] =	vst v0  }
0x30: {  	[tilespmem:s8+$0xFFFFFFC0] =	vst v0  }
0x31: {  	s10 =	sshra.s32 s9, $0x2;
	s9 =	sadd.s32 $0x40, s9;
	[tilespmem:s8+$0x30] =	vst v0  }
0x32: {  	[tilespmem:s10+$0x1DAB0] =	vst v0  }
0x33: {  	[tilespmem:s10+$0x1D5B0] =	vst v1  }
0x34: {  	[spmem:s6] =	stream.linear.scatter [tilespmem:s28], [sflag:$0x2], $0x2800, $0x38;
	[tilespmem:$0x1DFB0] =	vst v63  }
0x35: {  	_ =	swait.ge [sflag:s29], $0x2800  }
0x36: {  	[sflag:s29] =	ssyncset.done $0x0  }
0x37: {  	[sflag:s29] =	ssyncadd.s32 $0xFFFFD800  }
0x38: {  	[spmem:s7] =	stream.linear.scatter [tilespmem:s30], [sflag:$0x2], $0x500, $0x38;
	[tilespmem:$0x1DFB0] =	vst v63  }
0x39: {  	_ =	swait.ge [sflag:s29], $0x500  }
0x3a: {  	[sflag:s29] =	ssyncset.done $0x0  }
0x3b: {  	s8 =	rddreg [dreg:$0x7];
	[sflag:s29] =	ssyncadd.s32 $0xFFFFFB00  }
0x3c: {  	[spmem:s8] =	stream.linear.scatter [tilespmem:s28], [sflag:$0x2], $0x2800, $0x38;
	[tilespmem:$0x1DFB0] =	vst v63  }
0x3d: {  	_ =	swait.ge [sflag:s29], $0x2800  }
0x3e: {  	[sflag:s29] =	ssyncset.done $0x0  }
0x3f: {  	s12 =	rddreg [dreg:$0x8];
	[sflag:s29] =	ssyncadd.s32 $0xFFFFD800  }
0x40: {  	[spmem:s12] =	stream.linear.scatter [tilespmem:s30], [sflag:$0x2], $0x500, $0x38;
	[tilespmem:$0x1DFB0] =	vst v63  }
0x41: {  	_ =	swait.ge [sflag:s29], $0x500  }
0x42: {  	[sflag:s29] =	ssyncset.done $0x0  }
0x43: {  	s9 =	rddreg [dreg:$0x9];
	[sflag:s29] =	ssyncadd.s32 $0xFFFFFB00  }
0x44: {  	[spmem:s9] =	stream.linear.scatter [tilespmem:s28], [sflag:$0x2], $0x2800, $0x38;
	[tilespmem:$0x1DFB0] =	vst v63  }
0x45: {  	_ =	swait.ge [sflag:s29], $0x2800  }
0x46: {  	[sflag:s29] =	ssyncset.done $0x0  }
0x47: {  	s10 =	rddreg [dreg:$0xa];
	[sflag:s29] =	ssyncadd.s32 $0xFFFFD800  }
0x48: {  	[spmem:s10] =	stream.linear.scatter [tilespmem:s30], [sflag:$0x2], $0x500, $0x38;
	[tilespmem:$0x1DFB0] =	vst v63  }
0x49: {  	_ =	swait.ge [sflag:s29], $0x500  }
0x4a: {  	[sflag:s29] =	ssyncset.done $0x0  }
0x4b: {  	s11 =	rddreg [dreg:$0xb];
	[sflag:s29] =	ssyncadd.s32 $0xFFFFFB00  }
0x4c: {  	[spmem:s11] =	stream.linear.scatter [tilespmem:s28], [sflag:$0x2], $0x2800, $0x38;
	[tilespmem:$0x1DFB0] =	vst v63  }
0x4d: {  	_ =	swait.ge [sflag:s29], $0x2800  }
0x4e: {  	[sflag:s29] =	ssyncset.done $0x0  }
0x4f: {  	[sflag:s29] =	ssyncadd.s32 $0xFFFFD800  }
0x50: {  	[spmem:s13] =	stream.linear.scatter [tilespmem:s30], [sflag:$0x2], $0x500, $0x38;
	[tilespmem:$0x1DFB0] =	vst v63  }
0x51: {  	_ =	swait.ge [sflag:s29], $0x500  }
0x52: {  	[sflag:s29] =	ssyncset.done $0x0  }
0x53: {  	[sflag:s29] =	ssyncadd.s32 $0xFFFFFB00  }
0x54: {  	[spmem:s14] =	stream.linear.scatter [tilespmem:s28], [sflag:$0x2], $0x2800, $0x38;
	[tilespmem:$0x1DFB0] =	vst v63  }
0x55: {  	_ =	swait.ge [sflag:s29], $0x2800  }
0x56: {  	[sflag:s29] =	ssyncset.done $0x0  }
0x57: {  	[sflag:s29] =	ssyncadd.s32 $0xFFFFD800  }
0x58: {  	[spmem:s15] =	stream.linear.scatter [tilespmem:s30], [sflag:$0x2], $0x500, $0x38;
	[tilespmem:$0x1DFB0] =	vst v63  }
0x59: {  	_ =	swait.ge [sflag:s29], $0x500  }
0x5a: {  	[sflag:s29] =	ssyncset.done $0x0  }
0x5b: {  	[sflag:s29] =	ssyncadd.s32 $0xFFFFFB00  }
0x5c: {  	[spmem:s16] =	stream.linear.scatter [tilespmem:s28], [sflag:$0x2], $0x2800, $0x38;
	[tilespmem:$0x1DFB0] =	vst v63  }
0x5d: {  	_ =	swait.ge [sflag:s29], $0x2800  }
0x5e: {  	[sflag:s29] =	ssyncset.done $0x0  }
0x5f: {  	[sflag:s29] =	ssyncadd.s32 $0xFFFFD800  }
0x60: {  	[spmem:s17] =	stream.linear.scatter [tilespmem:s30], [sflag:$0x2], $0x500, $0x38;
	[tilespmem:$0x1DFB0] =	vst v63  }
0x61: {  	_ =	swait.ge [sflag:s29], $0x500  }
0x62: {  	[sflag:s29] =	ssyncset.done $0x0  }
0x63: {  	[sflag:s29] =	ssyncadd.s32 $0xFFFFFB00  }
0x64: {  	[spmem:s20] =	stream.linear.scatter [tilespmem:s28], [sflag:$0x2], $0x2800, $0x38;
	[tilespmem:$0x1DFB0] =	vst v63  }
0x65: {  	_ =	swait.ge [sflag:s29], $0x2800  }
0x66: {  	[sflag:s29] =	ssyncset.done $0x0  }
0x67: {  	[sflag:s29] =	ssyncadd.s32 $0xFFFFD800  }
0x68: {  	[spmem:s21] =	stream.linear.scatter [tilespmem:s30], [sflag:$0x2], $0x500, $0x38;
	[tilespmem:$0x1DFB0] =	vst v63  }
0x69: {  	_ =	swait.ge [sflag:s29], $0x500  }
0x6a: {  	[sflag:s29] =	ssyncset.done $0x0  }
0x6b: {  	[sflag:s29] =	ssyncadd.s32 $0xFFFFFB00  }
0x6c: {  	[spmem:s22] =	stream.linear.scatter [tilespmem:s28], [sflag:$0x2], $0x2080, $0x38;
	[tilespmem:$0x1DFB0] =	vst v63  }
0x6d: {  	_ =	swait.ge [sflag:s29], $0x2080  }
0x6e: {  	[sflag:s29] =	ssyncset.done $0x0  }
0x6f: {  	[sflag:s29] =	ssyncadd.s32 $0xFFFFDF80  }
0x70: {  	[spmem:s23] =	stream.linear.scatter [tilespmem:s30], [sflag:$0x2], $0x410, $0x38;
	[tilespmem:$0x1DFB0] =	vst v63  }
0x71: {  	_ =	swait.ge [sflag:s29], $0x410  }
0x72: {  	[sflag:s29] =	ssyncset.done $0x0  }
0x73: {  	s12 =	simm.s32 $0x0;
	s9 =	simm.s32 $0x15F90;
	[sflag:s29] =	ssyncadd.s32 $0xFFFFFBF0  }
0x74: {  	[tilespmem:s9], [sflag:$0x2] =	stream.linear.gather [hbm4b:s18+s12], $0x2710, $0x38;
	[tilespmem:$0x1DFB0] =	vst v63  }
0x75: {  	_ =	swait.ge [sflag:s29], $0x2710  }
0x76: {  	[sflag:s29] =	ssyncset.done $0x0  }
0x77: {  	s10 =	simm.s32 $0x186A0;
	[sflag:s29] =	ssyncadd.s32 $0xFFFFD8F0  }
0x78: {  	[tilespmem:s10], [sflag:$0x2] =	stream.linear.gather [hbm4b:s19+s12], $0x2710, $0x38;
	[tilespmem:$0x1DFB0] =	vst v63  }
0x79: {  	_ =	swait.ge [sflag:s29], $0x2710  }
0x7a: {  	[sflag:s29] =	ssyncset.done $0x0  }
0x7b: {  	[sflag:s29] =	ssyncadd.s32 $0xFFFFD8F0  }
0x7c: {  	s11 =	simm.s32 $0x15F90;
	[bflag:$0x0] =	sbarrier.arrive $0xFFFF  }
0x7d: {  	[tilespmem:s28], [sflag:$0x1] =	stream.indirect.gather [hbm4b:s1+s0], $0x80, s11, s0, $0xb8;
	[tilespmem:$0x1DFB0] =	vst v63  }
0x7e: {  	_ =	swait.ge [sflag:s31], $0x2800  }
0x7f: {  	[sflag:s31] =	ssyncset.done $0x0  }
0x80: {  	s12 =	simm.s32 $0x186A0;
	[sflag:s31] =	ssyncadd.s32 $0xFFFFD800  }
0x81: {  	[spmem:s3] =	stream.indirect.scatter.add.f32 [tilespmem:s28], [sflag:$0x2], $0x80, s12, s0, $0xb8;
	[tilespmem:$0x1DFB0] =	vst v63  }
0x82: {  	_ =	swait.ge [sflag:s29], $0x2800  }
0x83: {  	[sflag:s29] =	ssyncset.done $0x0  }
0x84: {  	[sflag:s29] =	ssyncadd.s32 $0xFFFFD800  }
0x85: {  	[spmem:s4] =	stream.indirect.scatter.add.f32 [tilespmem:s2], [sflag:$0x2], $0x10, s12, s0, $0xb8;
	[tilespmem:$0x1DFB0] =	vst v63  }
0x86: {  	_ =	swait.ge [sflag:s29], $0x500  }
0x87: {  	s8 =	simm.s32 $0x50;
	s9 =	simm.s32 $0x280;
	[sflag:s29] =	ssyncset.done $0x0  }
.LBB2_4:
0x88: {  	s10 =	sadd.s32 $0x15F90, s8  }
0x89: {  	[sflag:s29] =	ssyncadd.s32 $0xFFFFFB00;
	s11 =	smov.u32 s9;
	s12 =	sadd.s32 $0x140, s9  }
0x8a: {  	[tilespmem:s28], [sflag:$0x1] =	stream.indirect.gather [hbm4b:s1+s0], $0x80, s10, s0, $0xb8;
	[tilespmem:$0x1DFB0] =	vst v63  }
0x8b: {  	p0 =	sne.s32 s9, $0x9B00;
	_ =	swait.ge [sflag:s31], $0x2800  }
0x8c: {  	[sflag:s31] =	ssyncset.done $0x0  }
0x8d: {  	s8 =	sadd.s32 $0x186A0, s8;
	[sflag:s31] =	ssyncadd.s32 $0xFFFFD800  }
0x8e: {  	[spmem:s3] =	stream.indirect.scatter.add.f32 [tilespmem:s28], [sflag:$0x2], $0x80, s8, s0, $0xb8;
	[tilespmem:$0x1DFB0] =	vst v63  }
0x8f: {  	_ =	swait.ge [sflag:s29], $0x2800  }
.Ltmp1:
0x90: {  	[sflag:s29] =	ssyncset.done $0x0;
	(pc) =	sbr.rel @p0 .LBB2_4-.Ltmp1, $4  }
0x91: {  	[sflag:s29] =	ssyncadd.s32 $0xFFFFD800  }
0x92: {  	[spmem:s4] =	stream.indirect.scatter.add.f32 [tilespmem:s2], [sflag:$0x2], $0x10, s8, s0, $0xb8;
	[tilespmem:$0x1DFB0] =	vst v63  }
0x93: {  	_ =	swait.ge [sflag:s29], $0x500  }
0x94: {  	s9 =	smov.u32 s12;
	s8 =	sshra.s32 s11, $0x2;
	[sflag:s29] =	ssyncset.done $0x0  }
0x95: {  	s9 =	sadd.s32 $0x15F90, s8;
	[sflag:s29] =	ssyncadd.s32 $0xFFFFFB00  }
0x96: {  	[tilespmem:s28], [sflag:$0x1] =	stream.indirect.gather [hbm4b:s1+s0], $0x80, s9, s0, $0xb8;
	[tilespmem:$0x1DFB0] =	vst v63  }
0x97: {  	_ =	swait.ge [sflag:s31], $0x2800  }
0x98: {  	[sflag:s31] =	ssyncset.done $0x0  }
0x99: {  	s9 =	sadd.s32 $0x186A0, s8;
	[sflag:s31] =	ssyncadd.s32 $0xFFFFD800  }
0x9a: {  	[spmem:s3] =	stream.indirect.scatter.add.f32 [tilespmem:s28], [sflag:$0x2], $0x80, s9, s0, $0xb8;
	[tilespmem:$0x1DFB0] =	vst v63  }
0x9b: {  	_ =	swait.ge [sflag:s29], $0x2800  }
0x9c: {  	[sflag:s29] =	ssyncset.done $0x0  }
0x9d: {  	[sflag:s29] =	ssyncadd.s32 $0xFFFFD800  }
0x9e: {  	[spmem:s4] =	stream.indirect.scatter.add.f32 [tilespmem:s2], [sflag:$0x2], $0x10, s9, s0, $0xb8;
	[tilespmem:$0x1DFB0] =	vst v63  }
0x9f: {  	_ =	swait.ge [sflag:s29], $0x500  }
0xa0: {  	s10 =	stileid.u32;
	[sflag:s29] =	ssyncset.done $0x0  }
0xa1: {  	s8 =	sshll.u32 s10, $0x6;
	[sflag:s29] =	ssyncadd.s32 $0xFFFFFB00  }
0xa2: {  	s11 =	sshrl.u32 s6, $0x3;
	s8 =	sor.u32 $0x1C02, s8;
	[bflag:$0x0] =	sbarrier.arrive $0xFFFF  }
0xa3: {  	[hbm:s24], [sflag:s8] =	dma.local [spmem:s11], $0x2710  }
0xa4: {  	s5 =	sadd.s32 $0x1, s5;
	_ =	swait.ge [sflag:s29], $0x2710  }
0xa5: {  	p0 =	sne.s32 s5, s26;
	[sflag:s29] =	ssyncset.done $0x0  }
.Ltmp2:
0xa6: {  	s12 =	sshrl.u32 s7, $0x3;
	[sflag:s29] =	ssyncadd.s32 $0xFFFFD8F0;
	(pc) =	sbr.rel @p0 .LBB2_1-.Ltmp2, $4  }
0xa7: {  	[hbm:s25], [sflag:s8] =	dma.local [spmem:s12], $0x4E2  }
0xa8: {  	_ =	swait.ge [sflag:s29], $0x4E2  }
0xa9: {  	[sflag:s29] =	ssyncset.done $0x0  }
0xaa: {  	[sflag:s29] =	ssyncadd.s32 $0xFFFFFB1E  }
0xab: {  	_ =	sfence.sel $0x180000  }
0xac: {  	[bflag:$0x0] =	sbarrier.arrive $0xFFFF  }
0xad: {  	_ =	strace $0x90000047  }
0xae: {  	s0 =	stileid.u32;
	[bflag:$0x2] =	sbarrier.arrive $0xFFFF  }
0xaf: {  	p0 =	sne.s32 s0, $0x0;
	s0 =	rddreg [dreg:$0x6]  }
0xb0: {  	s0 =	sadd.s32 @!p0 $0x100000, s0  }
0xb1: {  	[sflag:s0] =	ssyncadd.tile.s32 @!p0 $0x1;
	_ =	shalt  }
.Lfunc_end2:
_tile_overlayer_lowered:
.L_overlay_start_2:
0xb2: {  	(tag) =	ssettag $0x2  }
0xb3: {  	s0 =	rddreg [dreg:$0x0];
	s2 =	stileid.u32  }
0xb4: {  	s1 =	rddreg [dreg:$0x1];
	p0 =	sne.s32 s2, $0x0  }
0xb5: {  	s3 =	rddreg [dreg:$0x2];
	[bflag:$0x3] =	sbarrier.arrive $0xFFFF;
	s2 =	simm.s32 @!p0 $0x1C02  }
0xb6: {  	[timem:s3], [sflag:s2] =	dma.local @!p0 [hbm:s0], s1  }
0xb7: {  	s0 =	simm.s32 @!p0 $0x2  }
0xb8: {  	_ =	swait.ge @!p0 [sflag:s0], s1  }
0xb9: {  	s1 =	ssub.s32 @!p0 $0x0, s1;
	[sflag:s0] =	ssyncset.done @!p0 $0x0  }
0xba: {  	[sflag:s0] =	ssyncadd.s32 @!p0 s1  }
0xbb: {  	[bflag:$0x3] =	sbarrier.arrive $0xFFFF  }
0xbc: {  	_ =	shalt  }

</sc_bundles>
